<compile_context>
chip_gen: v7x
topology: tpu7x:2x2x1
jax: 0.10.2.dev20260603
libtpu: 0.0.44.dev20260713+nightly
codegen_flags: <defaults>
</compile_context>

<pallas_src>
import jax
import jax.numpy as jnp
from jax import lax
from jax.experimental import pallas as pl
from jax.experimental.pallas import tpu as pltpu
from jax.experimental.pallas import tpu_sc as plsc

_B, _T, _D = 32, 8192, 128
_TL = 512
_TCH = _T // 128



def _scores_body(x_ref, s_ref, thr_ref, quota_ref, s2_ref, acc_ref):
    b = pl.program_id(0)

    @pl.when(b < _B)
    def _scores_step():
        xb = x_ref[0]
        mean = jnp.sum(xb, axis=0, keepdims=True) * (1.0 / _T)
        d = xb - mean
        s2_ref[...] = jnp.sum((d * d).reshape(_TCH, 128, _D), axis=2)
        s = jnp.sqrt(s2_ref[...])
        s_ref[0] = lax.bitcast_convert_type(s, jnp.int32)
        acc_ref[b] = s

    @pl.when(b == _B)
    def _bisect_step():
        bits = lax.bitcast_convert_type(acc_ref[...], jnp.int32)
        mx = jnp.max(bits, axis=(1, 2), keepdims=True)
        mn = jnp.min(bits, axis=(1, 2), keepdims=True)
        diff = jnp.max(mx ^ mn)
        fb = lax.bitcast_convert_type(diff.astype(jnp.float32), jnp.int32)
        nbits = jnp.maximum((fb >> 23) - 126, 0)
        start = jnp.maximum(31 - nbits, 0)
        mask_keep = ~((jnp.int32(1) << nbits) - 1)
        prefix0 = jnp.broadcast_to(mx & mask_keep, (_B, 1, 1))

        def round_fn(i, prefix):
            cand = prefix | (jnp.int32(1) << (30 - i))
            cnt = jnp.sum(jnp.where(bits >= cand, 1, 0), axis=(1, 2),
                          keepdims=True)
            return jnp.where(cnt >= _TL, cand, prefix)

        v = lax.fori_loop(start, 31, round_fn, prefix0)
        m_gt = jnp.sum(jnp.where(bits > v, 1, 0), axis=(1, 2), keepdims=True)
        thr_ref[...] = jnp.broadcast_to(v, (_B, 1, 128))
        quota_ref[...] = jnp.broadcast_to(_TL - m_gt, (_B, 1, 128))


def _compute_scores(x):
    return pl.pallas_call(
        _scores_body,
        grid=(_B + 1,),
        in_specs=[pl.BlockSpec((1, _T, _D), lambda b: (jnp.minimum(b, _B - 1), 0, 0))],
        out_specs=[
            pl.BlockSpec((1, _TCH, 128), lambda b: (jnp.minimum(b, _B - 1), 0, 0)),
            pl.BlockSpec((_B, 1, 128), lambda b: (0, 0, 0)),
            pl.BlockSpec((_B, 1, 128), lambda b: (0, 0, 0)),
        ],
        out_shape=[
            jax.ShapeDtypeStruct((_B, _TCH, 128), jnp.int32),
            jax.ShapeDtypeStruct((_B, 1, 128), jnp.int32),
            jax.ShapeDtypeStruct((_B, 1, 128), jnp.int32),
        ],
        scratch_shapes=[
            pltpu.VMEM((_TCH, 128), jnp.float32),
            pltpu.VMEM((_B, _TCH, 128), jnp.float32),
        ],
    )(x)



_NCHUNK = _TL // 128


def _sc_body(scores_hbm, thr_hbm, quota_hbm, xflat_hbm, sel_hbm,
             scores_v, thr_v, quota_v, idx_v, rows_v, sem):
    b = lax.axis_index("s") * 2 + lax.axis_index("c")
    pltpu.sync_copy(scores_hbm.at[b], scores_v)
    pltpu.sync_copy(thr_hbm.at[b], thr_v)
    pltpu.sync_copy(quota_hbm.at[b], quota_v)
    v_vec = thr_v[0, pl.ds(0, 16)]
    e_vec = quota_v[0, pl.ds(0, 16)]
    lane = lax.iota(jnp.int32, 16)
    row_base = b * _T
    zero = jnp.zeros((16,), jnp.int32)

    def row_step(r, carry):
        out_v, eq_v = carry
        for k in range(8):
            sb = scores_v[r, pl.ds(k * 16, 16)]
            gt = sb > v_vec
            eq = sb == v_vec
            eq_i = jnp.where(eq, 1, 0)
            eq_excl = plsc.cumsum(eq_i) - eq_i
            take_eq = jnp.logical_and(eq, (eq_v + eq_excl) < e_vec)
            selm = jnp.logical_or(gt, take_eq)
            sel_i = jnp.where(selm, 1, 0)
            pos = out_v + plsc.cumsum(sel_i) - sel_i
            tidx = row_base + r * 128 + k * 16 + lane
            plsc.store_scatter(idx_v, [pos >> 7, pos & 127], tidx, mask=selm)
            out_v = out_v + plsc.all_reduce_population_count(selm)
            eq_v = eq_v + plsc.all_reduce_population_count(eq)
        return out_v, eq_v

    lax.fori_loop(0, _TCH, row_step, (zero, zero))

    copies = []
    for j in range(_NCHUNK):
        copies.append(pltpu.make_async_copy(
            xflat_hbm.at[idx_v.at[j]],
            rows_v.at[pl.ds(j * 128, 128)], sem))
    for c in copies:
        c.start()
    for c in copies:
        c.wait()
    pltpu.sync_copy(rows_v, sel_hbm.at[pl.ds(b * _TL, _TL)])


def _sc_select_gather(scores_flat, thr2d, quota2d, x_flat):
    mesh = plsc.VectorSubcoreMesh(core_axis_name="c", subcore_axis_name="s")
    fn = pl.kernel(
        _sc_body,
        out_type=jax.ShapeDtypeStruct((_B * _TL, _D), jnp.float32),
        mesh=mesh,
        scratch_types=[
            pltpu.VMEM((_TCH, 128), jnp.int32),
            pltpu.VMEM((1, 128), jnp.int32),
            pltpu.VMEM((1, 128), jnp.int32),
            pltpu.VMEM((_NCHUNK, 128), jnp.int32),
            pltpu.VMEM((_TL, _D), jnp.float32),
            pltpu.SemaphoreType.DMA,
        ],
        compiler_params=pltpu.CompilerParams(needs_layout_passes=False),
    )
    return fn(scores_flat, thr2d, quota2d, x_flat)



_CB = 8


def _conv_body(sel_ref, wt_ref, bias_ref, pe_ref, out_ref):
    s = sel_ref[...]
    dn = (((2,), (0,)), ((), ()))
    a = lax.dot_general(s, wt_ref[0], dn, preferred_element_type=jnp.float32)
    y = lax.dot_general(s, wt_ref[1], dn, preferred_element_type=jnp.float32)
    c = lax.dot_general(s, wt_ref[2], dn, preferred_element_type=jnp.float32)
    z = jnp.zeros((_CB, 1, _D), jnp.float32)
    out = (y + jnp.concatenate([z, a[:, :-1]], axis=1)
             + jnp.concatenate([c[:, 1:], z], axis=1))
    out_ref[...] = out + bias_ref[...] + pe_ref[...]


def _conv(sel, wt, bias2d, pe):
    return pl.pallas_call(
        _conv_body,
        grid=(_B // _CB,),
        in_specs=[
            pl.BlockSpec((_CB, _TL, _D), lambda b: (b, 0, 0)),
            pl.BlockSpec((3, _D, _D), lambda b: (0, 0, 0)),
            pl.BlockSpec((1, _D), lambda b: (0, 0)),
            pl.BlockSpec((_TL, _D), lambda b: (0, 0)),
        ],
        out_specs=pl.BlockSpec((_CB, _TL, _D), lambda b: (b, 0, 0)),
        out_shape=jax.ShapeDtypeStruct((_B, _TL, _D), jnp.float32),
    )(sel, wt, bias2d, pe)



def kernel(x, W, b, pos_enc, target_length):
    B, T, D = x.shape
    if T == _TL:
        return x + pos_enc[:, :T, :]
    assert (B, T, D) == (_B, _T, _D)

    sbits, thr3d, quota3d = _compute_scores(x)
    sel_flat = _sc_select_gather(sbits, thr3d, quota3d, x.reshape(_B * _T, _D))
    wt = jnp.transpose(W, (2, 1, 0))
    out = _conv(sel_flat.reshape(_B, _TL, _D), wt,
                b.reshape(1, _D), pos_enc[0, :_TL, :])
    return out

# --- scband reference (transcript-rebuilt; emitter-appended) ---
"""Pipeline reference for scband-temporal-align-40046275068263 (READ-ONLY COPY).

The authoritative reference and input builder live on the scoring server;
editing this copy changes nothing except your own understanding.
"""

import jax, jax.numpy as jnp
import numpy as np


def setup_inputs(seed: int = 0) -> dict:
    key = jax.random.key(seed)
    k1, k2, k3 = jax.random.split(key, 3)
    B, T, D = 32, 8192, 128
    x = jax.random.normal(k1, (B, T, D), dtype=jnp.float32)
    # Conv1d(feat_dim, feat_dim, 3, padding=1): weight [out=D, in=D, kernel=3], bias [D]
    W = jax.random.normal(k2, (D, D, 3), dtype=jnp.float32) * (1.0 / np.sqrt(D * 3))
    b = jax.random.normal(k3, (D,), dtype=jnp.float32) * 0.01
    # pos_enc initialized to zeros, as in the torch module
    pos_enc = jnp.zeros((1, 1000, D), dtype=jnp.float32)
    return {"x": x, "W": W, "b": b, "pos_enc": pos_enc, "target_length": 512}


def reference(x, W, b, pos_enc, target_length):
    B, T, D = x.shape
    TL = 512
    if T == TL:
        return x + pos_enc[:, :T, :]
    mean_feat = jnp.mean(x, axis=1, keepdims=True)
    frame_scores = jnp.sqrt(jnp.sum((x - mean_feat) ** 2, axis=2))  # [B, T]
    if T > TL:
        _, top_indices = jax.lax.top_k(frame_scores, TL)  # [B, k]
        sorted_indices = jnp.sort(top_indices, axis=1)
        sorted_indices = sorted_indices + (target_length - TL)
        selected = jnp.take_along_axis(x, sorted_indices[:, :, None], axis=1)  # [B, k, D]
    else:
        # nearest-neighbor upsampling along time, matching F.interpolate(mode='nearest')
        idx = (jnp.arange(TL) * T) // target_length
        selected = x[:, idx, :]
    sel = jnp.transpose(selected, (0, 2, 1))  # [B, D, L]
    out = jax.lax.conv_general_dilated(
        sel, W, window_strides=(1,), padding=((1, 1),),
        dimension_numbers=("NCH", "OIH", "NCH"))
    out = out + b[None, :, None]
    return (jnp.transpose(out, (0, 2, 1)) + pos_enc[:, :TL, :])

if __name__ == "__main__":
    import jax
    _d = setup_inputs()
    print(jax.jit(kernel)(*tuple(_d.values())))

</pallas_src>

<mosaic_0001>
#map = affine_map<(d0, d1) -> (0, 0, 0)>
#map1 = affine_map<(d0, d1) -> (0, 0)>
module attributes {stable_mosaic.version = 14 : i64} {
  func.func @_sc_body(%arg0: i32, %arg1: i32, %arg2: memref<32x64x128xi32, #tpu.memory_space<hbm>>, %arg3: memref<32x1x128xi32, #tpu.memory_space<hbm>>, %arg4: memref<32x1x128xi32, #tpu.memory_space<hbm>>, %arg5: memref<262144x128xf32, #tpu.memory_space<hbm>>, %arg6: memref<16384x128xf32, #tpu.memory_space<hbm>>, %arg7: memref<64x128xi32, #tpu.memory_space<vmem>>, %arg8: memref<1x128xi32, #tpu.memory_space<vmem>>, %arg9: memref<1x128xi32, #tpu.memory_space<vmem>>, %arg10: memref<4x128xi32, #tpu.memory_space<vmem>>, %arg11: memref<512x128xf32, #tpu.memory_space<vmem>>, %arg12: memref<!tpu.dma_semaphore, #tpu.memory_space<semaphore_mem>>) attributes {dimension_semantics = [#tpu.dimension_semantics<core_parallel>, #tpu.dimension_semantics<subcore_parallel>], iteration_bounds = array<i64: 2, 16>, scalar_prefetch = 0 : i64, scratch_operands = 6 : i64, tpu.core_type = #tpu.core_type<sc_vector_subcore>, window_params = [{transform_indices = #map}, {transform_indices = #map}, {transform_indices = #map}, {transform_indices = #map1}, {transform_indices = #map1}]} {
    %mul3A = arith.constant 2 : i32
    %mul3A_0 = arith.muli %arg1, %mul3A : i32
    %add3A = arith.addi %mul3A_0, %arg0 : i32
    "tpu.region"() ({
      %run_scoped3A = tpu.sem_alloc : memref<!tpu.dma_semaphore, #tpu.memory_space<semaphore_mem>>
      %dma_start3A_96 = arith.constant 0 : i32
      %dma_start3A_97 = arith.constant 0 : i32
      %dma_start3A_98 = tpu.memref_slice %arg2[%add3A, %dma_start3A_96, %dma_start3A_97] : memref<32x64x128xi32, #tpu.memory_space<hbm>> -> memref<1x64x128xi32, #tpu.memory_space<hbm>>
      %dma_start3A_99 = tpu.memref_squeeze %dma_start3A_98 : memref<1x64x128xi32, #tpu.memory_space<hbm>> -> memref<64x128xi32, #tpu.memory_space<hbm>>
      %dma_start3A_100 = arith.constant 0 : i32
      %dma_start3A_101 = arith.constant 0 : i32
      %dma_start3A_102 = tpu.memref_slice %arg2[%add3A, %dma_start3A_100, %dma_start3A_101] : memref<32x64x128xi32, #tpu.memory_space<hbm>> -> memref<1x64x128xi32, #tpu.memory_space<hbm>>
      %dma_start3A_103 = tpu.memref_squeeze %dma_start3A_102 : memref<1x64x128xi32, #tpu.memory_space<hbm>> -> memref<64x128xi32, #tpu.memory_space<hbm>>
      tpu.enqueue_dma source(%dma_start3A_103 : memref<64x128xi32, #tpu.memory_space<hbm>>) target(%arg7 : memref<64x128xi32, #tpu.memory_space<vmem>>) target_semaphore(%run_scoped3A : memref<!tpu.dma_semaphore, #tpu.memory_space<semaphore_mem>>)
      %dma_wait3A_104 = arith.constant 0 : i32
      %dma_wait3A_105 = arith.constant 0 : i32
      %dma_wait3A_106 = tpu.memref_slice %arg2[%add3A, %dma_wait3A_104, %dma_wait3A_105] : memref<32x64x128xi32, #tpu.memory_space<hbm>> -> memref<1x64x128xi32, #tpu.memory_space<hbm>>
      %dma_wait3A_107 = tpu.memref_squeeze %dma_wait3A_106 : memref<1x64x128xi32, #tpu.memory_space<hbm>> -> memref<64x128xi32, #tpu.memory_space<hbm>>
      %dma_wait3A_108 = arith.constant 0 : i32
      %dma_wait3A_109 = arith.constant 0 : i32
      %dma_wait3A_110 = tpu.memref_slice %arg2[%add3A, %dma_wait3A_108, %dma_wait3A_109] : memref<32x64x128xi32, #tpu.memory_space<hbm>> -> memref<1x64x128xi32, #tpu.memory_space<hbm>>
      %dma_wait3A_111 = tpu.memref_squeeze %dma_wait3A_110 : memref<1x64x128xi32, #tpu.memory_space<hbm>> -> memref<64x128xi32, #tpu.memory_space<hbm>>
      tpu.wait_dma2 semaphore(%run_scoped3A : memref<!tpu.dma_semaphore, #tpu.memory_space<semaphore_mem>>) src(%dma_wait3A_111 : memref<64x128xi32, #tpu.memory_space<hbm>>) dst(%arg7 : memref<64x128xi32, #tpu.memory_space<vmem>>)
      tpu.yield
    }) : () -> ()
    "tpu.region"() ({
      %run_scoped3A = tpu.sem_alloc : memref<!tpu.dma_semaphore, #tpu.memory_space<semaphore_mem>>
      %dma_start3A_96 = arith.constant 0 : i32
      %dma_start3A_97 = arith.constant 0 : i32
      %dma_start3A_98 = tpu.memref_slice %arg3[%add3A, %dma_start3A_96, %dma_start3A_97] : memref<32x1x128xi32, #tpu.memory_space<hbm>> -> memref<1x1x128xi32, #tpu.memory_space<hbm>>
      %dma_start3A_99 = tpu.memref_squeeze %dma_start3A_98 : memref<1x1x128xi32, #tpu.memory_space<hbm>> -> memref<1x128xi32, #tpu.memory_space<hbm>>
      %dma_start3A_100 = arith.constant 0 : i32
      %dma_start3A_101 = arith.constant 0 : i32
      %dma_start3A_102 = tpu.memref_slice %arg3[%add3A, %dma_start3A_100, %dma_start3A_101] : memref<32x1x128xi32, #tpu.memory_space<hbm>> -> memref<1x1x128xi32, #tpu.memory_space<hbm>>
      %dma_start3A_103 = tpu.memref_squeeze %dma_start3A_102 : memref<1x1x128xi32, #tpu.memory_space<hbm>> -> memref<1x128xi32, #tpu.memory_space<hbm>>
      tpu.enqueue_dma source(%dma_start3A_103 : memref<1x128xi32, #tpu.memory_space<hbm>>) target(%arg8 : memref<1x128xi32, #tpu.memory_space<vmem>>) target_semaphore(%run_scoped3A : memref<!tpu.dma_semaphore, #tpu.memory_space<semaphore_mem>>)
      %dma_wait3A_104 = arith.constant 0 : i32
      %dma_wait3A_105 = arith.constant 0 : i32
      %dma_wait3A_106 = tpu.memref_slice %arg3[%add3A, %dma_wait3A_104, %dma_wait3A_105] : memref<32x1x128xi32, #tpu.memory_space<hbm>> -> memref<1x1x128xi32, #tpu.memory_space<hbm>>
      %dma_wait3A_107 = tpu.memref_squeeze %dma_wait3A_106 : memref<1x1x128xi32, #tpu.memory_space<hbm>> -> memref<1x128xi32, #tpu.memory_space<hbm>>
      %dma_wait3A_108 = arith.constant 0 : i32
      %dma_wait3A_109 = arith.constant 0 : i32
      %dma_wait3A_110 = tpu.memref_slice %arg3[%add3A, %dma_wait3A_108, %dma_wait3A_109] : memref<32x1x128xi32, #tpu.memory_space<hbm>> -> memref<1x1x128xi32, #tpu.memory_space<hbm>>
      %dma_wait3A_111 = tpu.memref_squeeze %dma_wait3A_110 : memref<1x1x128xi32, #tpu.memory_space<hbm>> -> memref<1x128xi32, #tpu.memory_space<hbm>>
      tpu.wait_dma2 semaphore(%run_scoped3A : memref<!tpu.dma_semaphore, #tpu.memory_space<semaphore_mem>>) src(%dma_wait3A_111 : memref<1x128xi32, #tpu.memory_space<hbm>>) dst(%arg8 : memref<1x128xi32, #tpu.memory_space<vmem>>)
      tpu.yield
    }) : () -> ()
    "tpu.region"() ({
      %run_scoped3A = tpu.sem_alloc : memref<!tpu.dma_semaphore, #tpu.memory_space<semaphore_mem>>
      %dma_start3A_96 = arith.constant 0 : i32
      %dma_start3A_97 = arith.constant 0 : i32
      %dma_start3A_98 = tpu.memref_slice %arg4[%add3A, %dma_start3A_96, %dma_start3A_97] : memref<32x1x128xi32, #tpu.memory_space<hbm>> -> memref<1x1x128xi32, #tpu.memory_space<hbm>>
      %dma_start3A_99 = tpu.memref_squeeze %dma_start3A_98 : memref<1x1x128xi32, #tpu.memory_space<hbm>> -> memref<1x128xi32, #tpu.memory_space<hbm>>
      %dma_start3A_100 = arith.constant 0 : i32
      %dma_start3A_101 = arith.constant 0 : i32
      %dma_start3A_102 = tpu.memref_slice %arg4[%add3A, %dma_start3A_100, %dma_start3A_101] : memref<32x1x128xi32, #tpu.memory_space<hbm>> -> memref<1x1x128xi32, #tpu.memory_space<hbm>>
      %dma_start3A_103 = tpu.memref_squeeze %dma_start3A_102 : memref<1x1x128xi32, #tpu.memory_space<hbm>> -> memref<1x128xi32, #tpu.memory_space<hbm>>
      tpu.enqueue_dma source(%dma_start3A_103 : memref<1x128xi32, #tpu.memory_space<hbm>>) target(%arg9 : memref<1x128xi32, #tpu.memory_space<vmem>>) target_semaphore(%run_scoped3A : memref<!tpu.dma_semaphore, #tpu.memory_space<semaphore_mem>>)
      %dma_wait3A_104 = arith.constant 0 : i32
      %dma_wait3A_105 = arith.constant 0 : i32
      %dma_wait3A_106 = tpu.memref_slice %arg4[%add3A, %dma_wait3A_104, %dma_wait3A_105] : memref<32x1x128xi32, #tpu.memory_space<hbm>> -> memref<1x1x128xi32, #tpu.memory_space<hbm>>
      %dma_wait3A_107 = tpu.memref_squeeze %dma_wait3A_106 : memref<1x1x128xi32, #tpu.memory_space<hbm>> -> memref<1x128xi32, #tpu.memory_space<hbm>>
      %dma_wait3A_108 = arith.constant 0 : i32
      %dma_wait3A_109 = arith.constant 0 : i32
      %dma_wait3A_110 = tpu.memref_slice %arg4[%add3A, %dma_wait3A_108, %dma_wait3A_109] : memref<32x1x128xi32, #tpu.memory_space<hbm>> -> memref<1x1x128xi32, #tpu.memory_space<hbm>>
      %dma_wait3A_111 = tpu.memref_squeeze %dma_wait3A_110 : memref<1x1x128xi32, #tpu.memory_space<hbm>> -> memref<1x128xi32, #tpu.memory_space<hbm>>
      tpu.wait_dma2 semaphore(%run_scoped3A : memref<!tpu.dma_semaphore, #tpu.memory_space<semaphore_mem>>) src(%dma_wait3A_111 : memref<1x128xi32, #tpu.memory_space<hbm>>) dst(%arg9 : memref<1x128xi32, #tpu.memory_space<vmem>>)
      tpu.yield
    }) : () -> ()
    %get3A = arith.constant 0 : i32
    %get3A_1 = arith.index_cast %get3A : i32 to index
    %get3A_2 = arith.constant 0 : index
    %get3A_3 = tpu.vector_load %arg8[%get3A_1, %get3A_2] {strides = array<i32>} : memref<1x128xi32, #tpu.memory_space<vmem>>, vector<16xi32>,
    %get3A_4 = arith.constant 0 : i32
    %get3A_5 = arith.index_cast %get3A_4 : i32 to index
    %get3A_6 = arith.constant 0 : index
    %get3A_7 = tpu.vector_load %arg9[%get3A_5, %get3A_6] {strides = array<i32>} : memref<1x128xi32, #tpu.memory_space<vmem>>, vector<16xi32>,
    %iota3A = tpu.iota {dimensions = array<i32: 0>} : vector<16xi32>
    %mul3A_8 = arith.constant 8192 : i32
    %mul3A_9 = arith.muli %add3A, %mul3A_8 : i32
    %broadcast_in_dim3A = arith.constant 0 : i32
    %broadcast_in_dim3A_10 = vector.broadcast %broadcast_in_dim3A : i32 to vector<16xi32>
    %scan3A = arith.constant 0 : i32
    %scan3A_11 = arith.constant 64 : i32
    %scan3A_12 = arith.addi %scan3A, %scan3A_11 : i32
    %scan3A_13 = arith.constant 1 : i32
    %scan3A_14:2 = scf.for %scan3A_96 = %scan3A to %scan3A_12 step %scan3A_13 iter_args(%scan3A_97 = %broadcast_in_dim3A_10, %scan3A_98 = %broadcast_in_dim3A_10) -> (vector<16xi32>, vector<16xi32>)  : i32 {
      %get3A_99 = arith.index_cast %scan3A_96 : i32 to index
      %get3A_100 = arith.constant 0 : index
      %get3A_101 = tpu.vector_load %arg7[%get3A_99, %get3A_100] {strides = array<i32>} : memref<64x128xi32, #tpu.memory_space<vmem>>, vector<16xi32>,
      %gt3A = arith.cmpi sgt, %get3A_101, %get3A_3 : vector<16xi32>
      %eq3A = arith.cmpi eq, %get3A_101, %get3A_3 : vector<16xi32>
      %jit3A = arith.constant 1 : i32
      %jit3A_102 = arith.constant 0 : i32
      %broadcast_in_dim3A_103 = vector.broadcast %jit3A : i32 to vector<16xi32>
      %broadcast_in_dim3A_104 = vector.broadcast %jit3A_102 : i32 to vector<16xi32>
      %select_n3A = arith.select %eq3A, %broadcast_in_dim3A_103, %broadcast_in_dim3A_104 : vector<16xi1>, vector<16xi32>
      %broadcast_in_dim3A_105 = arith.constant true
      %broadcast_in_dim3A_106 = vector.broadcast %broadcast_in_dim3A_105 : i1 to vector<16xi1>
      %masked_cumsum3A = tpu.scan <sum>, %select_n3A masked %broadcast_in_dim3A_106 : vector<16xi32>, vector<16xi1> -> vector<16xi32>
      %sub3A = arith.subi %masked_cumsum3A, %select_n3A : vector<16xi32>
      %add3A_107 = arith.addi %scan3A_98, %sub3A : vector<16xi32>
      %lt3A = arith.cmpi slt, %add3A_107, %get3A_7 : vector<16xi32>
      %and3A = arith.andi %eq3A, %lt3A : vector<16xi1>
      %or3A = arith.ori %gt3A, %and3A : vector<16xi1>
      %jit3A_108 = arith.constant 1 : i32
      %jit3A_109 = arith.constant 0 : i32
      %broadcast_in_dim3A_110 = vector.broadcast %jit3A_108 : i32 to vector<16xi32>
      %broadcast_in_dim3A_111 = vector.broadcast %jit3A_109 : i32 to vector<16xi32>
      %select_n3A_112 = arith.select %or3A, %broadcast_in_dim3A_110, %broadcast_in_dim3A_111 : vector<16xi1>, vector<16xi32>
      %broadcast_in_dim3A_113 = arith.constant true
      %broadcast_in_dim3A_114 = vector.broadcast %broadcast_in_dim3A_113 : i1 to vector<16xi1>
      %masked_cumsum3A_115 = tpu.scan <sum>, %select_n3A_112 masked %broadcast_in_dim3A_114 : vector<16xi32>, vector<16xi1> -> vector<16xi32>
      %add3A_116 = arith.addi %scan3A_97, %masked_cumsum3A_115 : vector<16xi32>
      %sub3A_117 = arith.subi %add3A_116, %select_n3A_112 : vector<16xi32>
      %mul3A_118 = arith.constant 128 : i32
      %mul3A_119 = arith.muli %scan3A_96, %mul3A_118 : i32
      %add3A_120 = arith.addi %mul3A_9, %mul3A_119 : i32
      %add3A_121 = arith.constant 0 : i32
      %add3A_122 = arith.addi %add3A_120, %add3A_121 : i32
      %add3A_123 = vector.broadcast %add3A_122 : i32 to vector<16xi32>
      %add3A_124 = arith.addi %add3A_123, %iota3A : vector<16xi32>
      %shift_right_arithmetic3A = arith.constant 7 : i32
      %shift_right_arithmetic3A_125 = vector.broadcast %shift_right_arithmetic3A : i32 to vector<16xi32>
      %shift_right_arithmetic3A_126 = arith.shrsi %sub3A_117, %shift_right_arithmetic3A_125 : vector<16xi32>
      %and3A_127 = arith.constant 127 : i32
      %and3A_128 = vector.broadcast %and3A_127 : i32 to vector<16xi32>
      %and3A_129 = arith.andi %sub3A_117, %and3A_128 : vector<16xi32>
      tpu.vector_store_idx %arg10[%shift_right_arithmetic3A_126, %and3A_129], %add3A_124 masked %or3A : memref<4x128xi32, #tpu.memory_space<vmem>>[vector<16xi32>, vector<16xi32>], vector<16xi32>, vector<16xi1>
      %all_reduce_population_count3A = tpu.all_reduce %or3A {dim = 0 : i64, kind = #tpu.reduction_kind<sum>} : vector<16xi1> -> vector<16xi32>
      %add3A_130 = arith.addi %scan3A_97, %all_reduce_population_count3A : vector<16xi32>
      %all_reduce_population_count3A_131 = tpu.all_reduce %eq3A {dim = 0 : i64, kind = #tpu.reduction_kind<sum>} : vector<16xi1> -> vector<16xi32>
      %add3A_132 = arith.addi %scan3A_98, %all_reduce_population_count3A_131 : vector<16xi32>
      %get3A_133 = arith.index_cast %scan3A_96 : i32 to index
      %get3A_134 = arith.constant 16 : index
      %get3A_135 = tpu.vector_load %arg7[%get3A_133, %get3A_134] {strides = array<i32>} : memref<64x128xi32, #tpu.memory_space<vmem>>, vector<16xi32>,
      %gt3A_136 = arith.cmpi sgt, %get3A_135, %get3A_3 : vector<16xi32>
      %eq3A_137 = arith.cmpi eq, %get3A_135, %get3A_3 : vector<16xi32>
      %jit3A_138 = arith.constant 1 : i32
      %jit3A_139 = arith.constant 0 : i32
      %broadcast_in_dim3A_140 = vector.broadcast %jit3A_138 : i32 to vector<16xi32>
      %broadcast_in_dim3A_141 = vector.broadcast %jit3A_139 : i32 to vector<16xi32>
      %select_n3A_142 = arith.select %eq3A_137, %broadcast_in_dim3A_140, %broadcast_in_dim3A_141 : vector<16xi1>, vector<16xi32>
      %broadcast_in_dim3A_143 = arith.constant true
      %broadcast_in_dim3A_144 = vector.broadcast %broadcast_in_dim3A_143 : i1 to vector<16xi1>
      %masked_cumsum3A_145 = tpu.scan <sum>, %select_n3A_142 masked %broadcast_in_dim3A_144 : vector<16xi32>, vector<16xi1> -> vector<16xi32>
      %sub3A_146 = arith.subi %masked_cumsum3A_145, %select_n3A_142 : vector<16xi32>
      %add3A_147 = arith.addi %add3A_132, %sub3A_146 : vector<16xi32>
      %lt3A_148 = arith.cmpi slt, %add3A_147, %get3A_7 : vector<16xi32>
      %and3A_149 = arith.andi %eq3A_137, %lt3A_148 : vector<16xi1>
      %or3A_150 = arith.ori %gt3A_136, %and3A_149 : vector<16xi1>
      %jit3A_151 = arith.constant 1 : i32
      %jit3A_152 = arith.constant 0 : i32
      %broadcast_in_dim3A_153 = vector.broadcast %jit3A_151 : i32 to vector<16xi32>
      %broadcast_in_dim3A_154 = vector.broadcast %jit3A_152 : i32 to vector<16xi32>
      %select_n3A_155 = arith.select %or3A_150, %broadcast_in_dim3A_153, %broadcast_in_dim3A_154 : vector<16xi1>, vector<16xi32>
      %broadcast_in_dim3A_156 = arith.constant true
      %broadcast_in_dim3A_157 = vector.broadcast %broadcast_in_dim3A_156 : i1 to vector<16xi1>
      %masked_cumsum3A_158 = tpu.scan <sum>, %select_n3A_155 masked %broadcast_in_dim3A_157 : vector<16xi32>, vector<16xi1> -> vector<16xi32>
      %add3A_159 = arith.addi %add3A_130, %masked_cumsum3A_158 : vector<16xi32>
      %sub3A_160 = arith.subi %add3A_159, %select_n3A_155 : vector<16xi32>
      %mul3A_161 = arith.constant 128 : i32
      %mul3A_162 = arith.muli %scan3A_96, %mul3A_161 : i32
      %add3A_163 = arith.addi %mul3A_9, %mul3A_162 : i32
      %add3A_164 = arith.constant 16 : i32
      %add3A_165 = arith.addi %add3A_163, %add3A_164 : i32
      %add3A_166 = vector.broadcast %add3A_165 : i32 to vector<16xi32>
      %add3A_167 = arith.addi %add3A_166, %iota3A : vector<16xi32>
      %shift_right_arithmetic3A_168 = arith.constant 7 : i32
      %shift_right_arithmetic3A_169 = vector.broadcast %shift_right_arithmetic3A_168 : i32 to vector<16xi32>
      %shift_right_arithmetic3A_170 = arith.shrsi %sub3A_160, %shift_right_arithmetic3A_169 : vector<16xi32>
      %and3A_171 = arith.constant 127 : i32
      %and3A_172 = vector.broadcast %and3A_171 : i32 to vector<16xi32>
      %and3A_173 = arith.andi %sub3A_160, %and3A_172 : vector<16xi32>
      tpu.vector_store_idx %arg10[%shift_right_arithmetic3A_170, %and3A_173], %add3A_167 masked %or3A_150 : memref<4x128xi32, #tpu.memory_space<vmem>>[vector<16xi32>, vector<16xi32>], vector<16xi32>, vector<16xi1>
      %all_reduce_population_count3A_174 = tpu.all_reduce %or3A_150 {dim = 0 : i64, kind = #tpu.reduction_kind<sum>} : vector<16xi1> -> vector<16xi32>
      %add3A_175 = arith.addi %add3A_130, %all_reduce_population_count3A_174 : vector<16xi32>
      %all_reduce_population_count3A_176 = tpu.all_reduce %eq3A_137 {dim = 0 : i64, kind = #tpu.reduction_kind<sum>} : vector<16xi1> -> vector<16xi32>
      %add3A_177 = arith.addi %add3A_132, %all_reduce_population_count3A_176 : vector<16xi32>
      %get3A_178 = arith.index_cast %scan3A_96 : i32 to index
      %get3A_179 = arith.constant 32 : index
      %get3A_180 = tpu.vector_load %arg7[%get3A_178, %get3A_179] {strides = array<i32>} : memref<64x128xi32, #tpu.memory_space<vmem>>, vector<16xi32>,
      %gt3A_181 = arith.cmpi sgt, %get3A_180, %get3A_3 : vector<16xi32>
      %eq3A_182 = arith.cmpi eq, %get3A_180, %get3A_3 : vector<16xi32>
      %jit3A_183 = arith.constant 1 : i32
      %jit3A_184 = arith.constant 0 : i32
      %broadcast_in_dim3A_185 = vector.broadcast %jit3A_183 : i32 to vector<16xi32>
      %broadcast_in_dim3A_186 = vector.broadcast %jit3A_184 : i32 to vector<16xi32>
      %select_n3A_187 = arith.select %eq3A_182, %broadcast_in_dim3A_185, %broadcast_in_dim3A_186 : vector<16xi1>, vector<16xi32>
      %broadcast_in_dim3A_188 = arith.constant true
      %broadcast_in_dim3A_189 = vector.broadcast %broadcast_in_dim3A_188 : i1 to vector<16xi1>
      %masked_cumsum3A_190 = tpu.scan <sum>, %select_n3A_187 masked %broadcast_in_dim3A_189 : vector<16xi32>, vector<16xi1> -> vector<16xi32>
      %sub3A_191 = arith.subi %masked_cumsum3A_190, %select_n3A_187 : vector<16xi32>
      %add3A_192 = arith.addi %add3A_177, %sub3A_191 : vector<16xi32>
      %lt3A_193 = arith.cmpi slt, %add3A_192, %get3A_7 : vector<16xi32>
      %and3A_194 = arith.andi %eq3A_182, %lt3A_193 : vector<16xi1>
      %or3A_195 = arith.ori %gt3A_181, %and3A_194 : vector<16xi1>
      %jit3A_196 = arith.constant 1 : i32
      %jit3A_197 = arith.constant 0 : i32
      %broadcast_in_dim3A_198 = vector.broadcast %jit3A_196 : i32 to vector<16xi32>
      %broadcast_in_dim3A_199 = vector.broadcast %jit3A_197 : i32 to vector<16xi32>
      %select_n3A_200 = arith.select %or3A_195, %broadcast_in_dim3A_198, %broadcast_in_dim3A_199 : vector<16xi1>, vector<16xi32>
      %broadcast_in_dim3A_201 = arith.constant true
      %broadcast_in_dim3A_202 = vector.broadcast %broadcast_in_dim3A_201 : i1 to vector<16xi1>
      %masked_cumsum3A_203 = tpu.scan <sum>, %select_n3A_200 masked %broadcast_in_dim3A_202 : vector<16xi32>, vector<16xi1> -> vector<16xi32>
      %add3A_204 = arith.addi %add3A_175, %masked_cumsum3A_203 : vector<16xi32>
      %sub3A_205 = arith.subi %add3A_204, %select_n3A_200 : vector<16xi32>
      %mul3A_206 = arith.constant 128 : i32
      %mul3A_207 = arith.muli %scan3A_96, %mul3A_206 : i32
      %add3A_208 = arith.addi %mul3A_9, %mul3A_207 : i32
      %add3A_209 = arith.constant 32 : i32
      %add3A_210 = arith.addi %add3A_208, %add3A_209 : i32
      %add3A_211 = vector.broadcast %add3A_210 : i32 to vector<16xi32>
      %add3A_212 = arith.addi %add3A_211, %iota3A : vector<16xi32>
      %shift_right_arithmetic3A_213 = arith.constant 7 : i32
      %shift_right_arithmetic3A_214 = vector.broadcast %shift_right_arithmetic3A_213 : i32 to vector<16xi32>
      %shift_right_arithmetic3A_215 = arith.shrsi %sub3A_205, %shift_right_arithmetic3A_214 : vector<16xi32>
      %and3A_216 = arith.constant 127 : i32
      %and3A_217 = vector.broadcast %and3A_216 : i32 to vector<16xi32>
      %and3A_218 = arith.andi %sub3A_205, %and3A_217 : vector<16xi32>
      tpu.vector_store_idx %arg10[%shift_right_arithmetic3A_215, %and3A_218], %add3A_212 masked %or3A_195 : memref<4x128xi32, #tpu.memory_space<vmem>>[vector<16xi32>, vector<16xi32>], vector<16xi32>, vector<16xi1>
      %all_reduce_population_count3A_219 = tpu.all_reduce %or3A_195 {dim = 0 : i64, kind = #tpu.reduction_kind<sum>} : vector<16xi1> -> vector<16xi32>
      %add3A_220 = arith.addi %add3A_175, %all_reduce_population_count3A_219 : vector<16xi32>
      %all_reduce_population_count3A_221 = tpu.all_reduce %eq3A_182 {dim = 0 : i64, kind = #tpu.reduction_kind<sum>} : vector<16xi1> -> vector<16xi32>
      %add3A_222 = arith.addi %add3A_177, %all_reduce_population_count3A_221 : vector<16xi32>
      %get3A_223 = arith.index_cast %scan3A_96 : i32 to index
      %get3A_224 = arith.constant 48 : index
      %get3A_225 = tpu.vector_load %arg7[%get3A_223, %get3A_224] {strides = array<i32>} : memref<64x128xi32, #tpu.memory_space<vmem>>, vector<16xi32>,
      %gt3A_226 = arith.cmpi sgt, %get3A_225, %get3A_3 : vector<16xi32>
      %eq3A_227 = arith.cmpi eq, %get3A_225, %get3A_3 : vector<16xi32>
      %jit3A_228 = arith.constant 1 : i32
      %jit3A_229 = arith.constant 0 : i32
      %broadcast_in_dim3A_230 = vector.broadcast %jit3A_228 : i32 to vector<16xi32>
      %broadcast_in_dim3A_231 = vector.broadcast %jit3A_229 : i32 to vector<16xi32>
      %select_n3A_232 = arith.select %eq3A_227, %broadcast_in_dim3A_230, %broadcast_in_dim3A_231 : vector<16xi1>, vector<16xi32>
      %broadcast_in_dim3A_233 = arith.constant true
      %broadcast_in_dim3A_234 = vector.broadcast %broadcast_in_dim3A_233 : i1 to vector<16xi1>
      %masked_cumsum3A_235 = tpu.scan <sum>, %select_n3A_232 masked %broadcast_in_dim3A_234 : vector<16xi32>, vector<16xi1> -> vector<16xi32>
      %sub3A_236 = arith.subi %masked_cumsum3A_235, %select_n3A_232 : vector<16xi32>
      %add3A_237 = arith.addi %add3A_222, %sub3A_236 : vector<16xi32>
      %lt3A_238 = arith.cmpi slt, %add3A_237, %get3A_7 : vector<16xi32>
      %and3A_239 = arith.andi %eq3A_227, %lt3A_238 : vector<16xi1>
      %or3A_240 = arith.ori %gt3A_226, %and3A_239 : vector<16xi1>
      %jit3A_241 = arith.constant 1 : i32
      %jit3A_242 = arith.constant 0 : i32
      %broadcast_in_dim3A_243 = vector.broadcast %jit3A_241 : i32 to vector<16xi32>
      %broadcast_in_dim3A_244 = vector.broadcast %jit3A_242 : i32 to vector<16xi32>
      %select_n3A_245 = arith.select %or3A_240, %broadcast_in_dim3A_243, %broadcast_in_dim3A_244 : vector<16xi1>, vector<16xi32>
      %broadcast_in_dim3A_246 = arith.constant true
      %broadcast_in_dim3A_247 = vector.broadcast %broadcast_in_dim3A_246 : i1 to vector<16xi1>
      %masked_cumsum3A_248 = tpu.scan <sum>, %select_n3A_245 masked %broadcast_in_dim3A_247 : vector<16xi32>, vector<16xi1> -> vector<16xi32>
      %add3A_249 = arith.addi %add3A_220, %masked_cumsum3A_248 : vector<16xi32>
      %sub3A_250 = arith.subi %add3A_249, %select_n3A_245 : vector<16xi32>
      %mul3A_251 = arith.constant 128 : i32
      %mul3A_252 = arith.muli %scan3A_96, %mul3A_251 : i32
      %add3A_253 = arith.addi %mul3A_9, %mul3A_252 : i32
      %add3A_254 = arith.constant 48 : i32
      %add3A_255 = arith.addi %add3A_253, %add3A_254 : i32
      %add3A_256 = vector.broadcast %add3A_255 : i32 to vector<16xi32>
      %add3A_257 = arith.addi %add3A_256, %iota3A : vector<16xi32>
      %shift_right_arithmetic3A_258 = arith.constant 7 : i32
      %shift_right_arithmetic3A_259 = vector.broadcast %shift_right_arithmetic3A_258 : i32 to vector<16xi32>
      %shift_right_arithmetic3A_260 = arith.shrsi %sub3A_250, %shift_right_arithmetic3A_259 : vector<16xi32>
      %and3A_261 = arith.constant 127 : i32
      %and3A_262 = vector.broadcast %and3A_261 : i32 to vector<16xi32>
      %and3A_263 = arith.andi %sub3A_250, %and3A_262 : vector<16xi32>
      tpu.vector_store_idx %arg10[%shift_right_arithmetic3A_260, %and3A_263], %add3A_257 masked %or3A_240 : memref<4x128xi32, #tpu.memory_space<vmem>>[vector<16xi32>, vector<16xi32>], vector<16xi32>, vector<16xi1>
      %all_reduce_population_count3A_264 = tpu.all_reduce %or3A_240 {dim = 0 : i64, kind = #tpu.reduction_kind<sum>} : vector<16xi1> -> vector<16xi32>
      %add3A_265 = arith.addi %add3A_220, %all_reduce_population_count3A_264 : vector<16xi32>
      %all_reduce_population_count3A_266 = tpu.all_reduce %eq3A_227 {dim = 0 : i64, kind = #tpu.reduction_kind<sum>} : vector<16xi1> -> vector<16xi32>
      %add3A_267 = arith.addi %add3A_222, %all_reduce_population_count3A_266 : vector<16xi32>
      %get3A_268 = arith.index_cast %scan3A_96 : i32 to index
      %get3A_269 = arith.constant 64 : index
      %get3A_270 = tpu.vector_load %arg7[%get3A_268, %get3A_269] {strides = array<i32>} : memref<64x128xi32, #tpu.memory_space<vmem>>, vector<16xi32>,
      %gt3A_271 = arith.cmpi sgt, %get3A_270, %get3A_3 : vector<16xi32>
      %eq3A_272 = arith.cmpi eq, %get3A_270, %get3A_3 : vector<16xi32>
      %jit3A_273 = arith.constant 1 : i32
      %jit3A_274 = arith.constant 0 : i32
      %broadcast_in_dim3A_275 = vector.broadcast %jit3A_273 : i32 to vector<16xi32>
      %broadcast_in_dim3A_276 = vector.broadcast %jit3A_274 : i32 to vector<16xi32>
      %select_n3A_277 = arith.select %eq3A_272, %broadcast_in_dim3A_275, %broadcast_in_dim3A_276 : vector<16xi1>, vector<16xi32>
      %broadcast_in_dim3A_278 = arith.constant true
      %broadcast_in_dim3A_279 = vector.broadcast %broadcast_in_dim3A_278 : i1 to vector<16xi1>
      %masked_cumsum3A_280 = tpu.scan <sum>, %select_n3A_277 masked %broadcast_in_dim3A_279 : vector<16xi32>, vector<16xi1> -> vector<16xi32>
      %sub3A_281 = arith.subi %masked_cumsum3A_280, %select_n3A_277 : vector<16xi32>
      %add3A_282 = arith.addi %add3A_267, %sub3A_281 : vector<16xi32>
      %lt3A_283 = arith.cmpi slt, %add3A_282, %get3A_7 : vector<16xi32>
      %and3A_284 = arith.andi %eq3A_272, %lt3A_283 : vector<16xi1>
      %or3A_285 = arith.ori %gt3A_271, %and3A_284 : vector<16xi1>
      %jit3A_286 = arith.constant 1 : i32
      %jit3A_287 = arith.constant 0 : i32
      %broadcast_in_dim3A_288 = vector.broadcast %jit3A_286 : i32 to vector<16xi32>
      %broadcast_in_dim3A_289 = vector.broadcast %jit3A_287 : i32 to vector<16xi32>
      %select_n3A_290 = arith.select %or3A_285, %broadcast_in_dim3A_288, %broadcast_in_dim3A_289 : vector<16xi1>, vector<16xi32>
      %broadcast_in_dim3A_291 = arith.constant true
      %broadcast_in_dim3A_292 = vector.broadcast %broadcast_in_dim3A_291 : i1 to vector<16xi1>
      %masked_cumsum3A_293 = tpu.scan <sum>, %select_n3A_290 masked %broadcast_in_dim3A_292 : vector<16xi32>, vector<16xi1> -> vector<16xi32>
      %add3A_294 = arith.addi %add3A_265, %masked_cumsum3A_293 : vector<16xi32>
      %sub3A_295 = arith.subi %add3A_294, %select_n3A_290 : vector<16xi32>
      %mul3A_296 = arith.constant 128 : i32
      %mul3A_297 = arith.muli %scan3A_96, %mul3A_296 : i32
      %add3A_298 = arith.addi %mul3A_9, %mul3A_297 : i32
      %add3A_299 = arith.constant 64 : i32
      %add3A_300 = arith.addi %add3A_298, %add3A_299 : i32
      %add3A_301 = vector.broadcast %add3A_300 : i32 to vector<16xi32>
      %add3A_302 = arith.addi %add3A_301, %iota3A : vector<16xi32>
      %shift_right_arithmetic3A_303 = arith.constant 7 : i32
      %shift_right_arithmetic3A_304 = vector.broadcast %shift_right_arithmetic3A_303 : i32 to vector<16xi32>
      %shift_right_arithmetic3A_305 = arith.shrsi %sub3A_295, %shift_right_arithmetic3A_304 : vector<16xi32>
      %and3A_306 = arith.constant 127 : i32
      %and3A_307 = vector.broadcast %and3A_306 : i32 to vector<16xi32>
      %and3A_308 = arith.andi %sub3A_295, %and3A_307 : vector<16xi32>
      tpu.vector_store_idx %arg10[%shift_right_arithmetic3A_305, %and3A_308], %add3A_302 masked %or3A_285 : memref<4x128xi32, #tpu.memory_space<vmem>>[vector<16xi32>, vector<16xi32>], vector<16xi32>, vector<16xi1>
      %all_reduce_population_count3A_309 = tpu.all_reduce %or3A_285 {dim = 0 : i64, kind = #tpu.reduction_kind<sum>} : vector<16xi1> -> vector<16xi32>
      %add3A_310 = arith.addi %add3A_265, %all_reduce_population_count3A_309 : vector<16xi32>
      %all_reduce_population_count3A_311 = tpu.all_reduce %eq3A_272 {dim = 0 : i64, kind = #tpu.reduction_kind<sum>} : vector<16xi1> -> vector<16xi32>
      %add3A_312 = arith.addi %add3A_267, %all_reduce_population_count3A_311 : vector<16xi32>
      %get3A_313 = arith.index_cast %scan3A_96 : i32 to index
      %get3A_314 = arith.constant 80 : index
      %get3A_315 = tpu.vector_load %arg7[%get3A_313, %get3A_314] {strides = array<i32>} : memref<64x128xi32, #tpu.memory_space<vmem>>, vector<16xi32>,
      %gt3A_316 = arith.cmpi sgt, %get3A_315, %get3A_3 : vector<16xi32>
      %eq3A_317 = arith.cmpi eq, %get3A_315, %get3A_3 : vector<16xi32>
      %jit3A_318 = arith.constant 1 : i32
      %jit3A_319 = arith.constant 0 : i32
      %broadcast_in_dim3A_320 = vector.broadcast %jit3A_318 : i32 to vector<16xi32>
      %broadcast_in_dim3A_321 = vector.broadcast %jit3A_319 : i32 to vector<16xi32>
      %select_n3A_322 = arith.select %eq3A_317, %broadcast_in_dim3A_320, %broadcast_in_dim3A_321 : vector<16xi1>, vector<16xi32>
      %broadcast_in_dim3A_323 = arith.constant true
      %broadcast_in_dim3A_324 = vector.broadcast %broadcast_in_dim3A_323 : i1 to vector<16xi1>
      %masked_cumsum3A_325 = tpu.scan <sum>, %select_n3A_322 masked %broadcast_in_dim3A_324 : vector<16xi32>, vector<16xi1> -> vector<16xi32>
      %sub3A_326 = arith.subi %masked_cumsum3A_325, %select_n3A_322 : vector<16xi32>
      %add3A_327 = arith.addi %add3A_312, %sub3A_326 : vector<16xi32>
      %lt3A_328 = arith.cmpi slt, %add3A_327, %get3A_7 : vector<16xi32>
      %and3A_329 = arith.andi %eq3A_317, %lt3A_328 : vector<16xi1>
      %or3A_330 = arith.ori %gt3A_316, %and3A_329 : vector<16xi1>
      %jit3A_331 = arith.constant 1 : i32
      %jit3A_332 = arith.constant 0 : i32
      %broadcast_in_dim3A_333 = vector.broadcast %jit3A_331 : i32 to vector<16xi32>
      %broadcast_in_dim3A_334 = vector.broadcast %jit3A_332 : i32 to vector<16xi32>
      %select_n3A_335 = arith.select %or3A_330, %broadcast_in_dim3A_333, %broadcast_in_dim3A_334 : vector<16xi1>, vector<16xi32>
      %broadcast_in_dim3A_336 = arith.constant true
      %broadcast_in_dim3A_337 = vector.broadcast %broadcast_in_dim3A_336 : i1 to vector<16xi1>
      %masked_cumsum3A_338 = tpu.scan <sum>, %select_n3A_335 masked %broadcast_in_dim3A_337 : vector<16xi32>, vector<16xi1> -> vector<16xi32>
      %add3A_339 = arith.addi %add3A_310, %masked_cumsum3A_338 : vector<16xi32>
      %sub3A_340 = arith.subi %add3A_339, %select_n3A_335 : vector<16xi32>
      %mul3A_341 = arith.constant 128 : i32
      %mul3A_342 = arith.muli %scan3A_96, %mul3A_341 : i32
      %add3A_343 = arith.addi %mul3A_9, %mul3A_342 : i32
      %add3A_344 = arith.constant 80 : i32
      %add3A_345 = arith.addi %add3A_343, %add3A_344 : i32
      %add3A_346 = vector.broadcast %add3A_345 : i32 to vector<16xi32>
      %add3A_347 = arith.addi %add3A_346, %iota3A : vector<16xi32>
      %shift_right_arithmetic3A_348 = arith.constant 7 : i32
      %shift_right_arithmetic3A_349 = vector.broadcast %shift_right_arithmetic3A_348 : i32 to vector<16xi32>
      %shift_right_arithmetic3A_350 = arith.shrsi %sub3A_340, %shift_right_arithmetic3A_349 : vector<16xi32>
      %and3A_351 = arith.constant 127 : i32
      %and3A_352 = vector.broadcast %and3A_351 : i32 to vector<16xi32>
      %and3A_353 = arith.andi %sub3A_340, %and3A_352 : vector<16xi32>
      tpu.vector_store_idx %arg10[%shift_right_arithmetic3A_350, %and3A_353], %add3A_347 masked %or3A_330 : memref<4x128xi32, #tpu.memory_space<vmem>>[vector<16xi32>, vector<16xi32>], vector<16xi32>, vector<16xi1>
      %all_reduce_population_count3A_354 = tpu.all_reduce %or3A_330 {dim = 0 : i64, kind = #tpu.reduction_kind<sum>} : vector<16xi1> -> vector<16xi32>
      %add3A_355 = arith.addi %add3A_310, %all_reduce_population_count3A_354 : vector<16xi32>
      %all_reduce_population_count3A_356 = tpu.all_reduce %eq3A_317 {dim = 0 : i64, kind = #tpu.reduction_kind<sum>} : vector<16xi1> -> vector<16xi32>
      %add3A_357 = arith.addi %add3A_312, %all_reduce_population_count3A_356 : vector<16xi32>
      %get3A_358 = arith.index_cast %scan3A_96 : i32 to index
      %get3A_359 = arith.constant 96 : index
      %get3A_360 = tpu.vector_load %arg7[%get3A_358, %get3A_359] {strides = array<i32>} : memref<64x128xi32, #tpu.memory_space<vmem>>, vector<16xi32>,
      %gt3A_361 = arith.cmpi sgt, %get3A_360, %get3A_3 : vector<16xi32>
      %eq3A_362 = arith.cmpi eq, %get3A_360, %get3A_3 : vector<16xi32>
      %jit3A_363 = arith.constant 1 : i32
      %jit3A_364 = arith.constant 0 : i32
      %broadcast_in_dim3A_365 = vector.broadcast %jit3A_363 : i32 to vector<16xi32>
      %broadcast_in_dim3A_366 = vector.broadcast %jit3A_364 : i32 to vector<16xi32>
      %select_n3A_367 = arith.select %eq3A_362, %broadcast_in_dim3A_365, %broadcast_in_dim3A_366 : vector<16xi1>, vector<16xi32>
      %broadcast_in_dim3A_368 = arith.constant true
      %broadcast_in_dim3A_369 = vector.broadcast %broadcast_in_dim3A_368 : i1 to vector<16xi1>
      %masked_cumsum3A_370 = tpu.scan <sum>, %select_n3A_367 masked %broadcast_in_dim3A_369 : vector<16xi32>, vector<16xi1> -> vector<16xi32>
      %sub3A_371 = arith.subi %masked_cumsum3A_370, %select_n3A_367 : vector<16xi32>
      %add3A_372 = arith.addi %add3A_357, %sub3A_371 : vector<16xi32>
      %lt3A_373 = arith.cmpi slt, %add3A_372, %get3A_7 : vector<16xi32>
      %and3A_374 = arith.andi %eq3A_362, %lt3A_373 : vector<16xi1>
      %or3A_375 = arith.ori %gt3A_361, %and3A_374 : vector<16xi1>
      %jit3A_376 = arith.constant 1 : i32
      %jit3A_377 = arith.constant 0 : i32
      %broadcast_in_dim3A_378 = vector.broadcast %jit3A_376 : i32 to vector<16xi32>
      %broadcast_in_dim3A_379 = vector.broadcast %jit3A_377 : i32 to vector<16xi32>
      %select_n3A_380 = arith.select %or3A_375, %broadcast_in_dim3A_378, %broadcast_in_dim3A_379 : vector<16xi1>, vector<16xi32>
      %broadcast_in_dim3A_381 = arith.constant true
      %broadcast_in_dim3A_382 = vector.broadcast %broadcast_in_dim3A_381 : i1 to vector<16xi1>
      %masked_cumsum3A_383 = tpu.scan <sum>, %select_n3A_380 masked %broadcast_in_dim3A_382 : vector<16xi32>, vector<16xi1> -> vector<16xi32>
      %add3A_384 = arith.addi %add3A_355, %masked_cumsum3A_383 : vector<16xi32>
      %sub3A_385 = arith.subi %add3A_384, %select_n3A_380 : vector<16xi32>
      %mul3A_386 = arith.constant 128 : i32
      %mul3A_387 = arith.muli %scan3A_96, %mul3A_386 : i32
      %add3A_388 = arith.addi %mul3A_9, %mul3A_387 : i32
      %add3A_389 = arith.constant 96 : i32
      %add3A_390 = arith.addi %add3A_388, %add3A_389 : i32
      %add3A_391 = vector.broadcast %add3A_390 : i32 to vector<16xi32>
      %add3A_392 = arith.addi %add3A_391, %iota3A : vector<16xi32>
      %shift_right_arithmetic3A_393 = arith.constant 7 : i32
      %shift_right_arithmetic3A_394 = vector.broadcast %shift_right_arithmetic3A_393 : i32 to vector<16xi32>
      %shift_right_arithmetic3A_395 = arith.shrsi %sub3A_385, %shift_right_arithmetic3A_394 : vector<16xi32>
      %and3A_396 = arith.constant 127 : i32
      %and3A_397 = vector.broadcast %and3A_396 : i32 to vector<16xi32>
      %and3A_398 = arith.andi %sub3A_385, %and3A_397 : vector<16xi32>
      tpu.vector_store_idx %arg10[%shift_right_arithmetic3A_395, %and3A_398], %add3A_392 masked %or3A_375 : memref<4x128xi32, #tpu.memory_space<vmem>>[vector<16xi32>, vector<16xi32>], vector<16xi32>, vector<16xi1>
      %all_reduce_population_count3A_399 = tpu.all_reduce %or3A_375 {dim = 0 : i64, kind = #tpu.reduction_kind<sum>} : vector<16xi1> -> vector<16xi32>
      %add3A_400 = arith.addi %add3A_355, %all_reduce_population_count3A_399 : vector<16xi32>
      %all_reduce_population_count3A_401 = tpu.all_reduce %eq3A_362 {dim = 0 : i64, kind = #tpu.reduction_kind<sum>} : vector<16xi1> -> vector<16xi32>
      %add3A_402 = arith.addi %add3A_357, %all_reduce_population_count3A_401 : vector<16xi32>
      %get3A_403 = arith.index_cast %scan3A_96 : i32 to index
      %get3A_404 = arith.constant 112 : index
      %get3A_405 = tpu.vector_load %arg7[%get3A_403, %get3A_404] {strides = array<i32>} : memref<64x128xi32, #tpu.memory_space<vmem>>, vector<16xi32>,
      %gt3A_406 = arith.cmpi sgt, %get3A_405, %get3A_3 : vector<16xi32>
      %eq3A_407 = arith.cmpi eq, %get3A_405, %get3A_3 : vector<16xi32>
      %jit3A_408 = arith.constant 1 : i32
      %jit3A_409 = arith.constant 0 : i32
      %broadcast_in_dim3A_410 = vector.broadcast %jit3A_408 : i32 to vector<16xi32>
      %broadcast_in_dim3A_411 = vector.broadcast %jit3A_409 : i32 to vector<16xi32>
      %select_n3A_412 = arith.select %eq3A_407, %broadcast_in_dim3A_410, %broadcast_in_dim3A_411 : vector<16xi1>, vector<16xi32>
      %broadcast_in_dim3A_413 = arith.constant true
      %broadcast_in_dim3A_414 = vector.broadcast %broadcast_in_dim3A_413 : i1 to vector<16xi1>
      %masked_cumsum3A_415 = tpu.scan <sum>, %select_n3A_412 masked %broadcast_in_dim3A_414 : vector<16xi32>, vector<16xi1> -> vector<16xi32>
      %sub3A_416 = arith.subi %masked_cumsum3A_415, %select_n3A_412 : vector<16xi32>
      %add3A_417 = arith.addi %add3A_402, %sub3A_416 : vector<16xi32>
      %lt3A_418 = arith.cmpi slt, %add3A_417, %get3A_7 : vector<16xi32>
      %and3A_419 = arith.andi %eq3A_407, %lt3A_418 : vector<16xi1>
      %or3A_420 = arith.ori %gt3A_406, %and3A_419 : vector<16xi1>
      %jit3A_421 = arith.constant 1 : i32
      %jit3A_422 = arith.constant 0 : i32
      %broadcast_in_dim3A_423 = vector.broadcast %jit3A_421 : i32 to vector<16xi32>
      %broadcast_in_dim3A_424 = vector.broadcast %jit3A_422 : i32 to vector<16xi32>
      %select_n3A_425 = arith.select %or3A_420, %broadcast_in_dim3A_423, %broadcast_in_dim3A_424 : vector<16xi1>, vector<16xi32>
      %broadcast_in_dim3A_426 = arith.constant true
      %broadcast_in_dim3A_427 = vector.broadcast %broadcast_in_dim3A_426 : i1 to vector<16xi1>
      %masked_cumsum3A_428 = tpu.scan <sum>, %select_n3A_425 masked %broadcast_in_dim3A_427 : vector<16xi32>, vector<16xi1> -> vector<16xi32>
      %add3A_429 = arith.addi %add3A_400, %masked_cumsum3A_428 : vector<16xi32>
      %sub3A_430 = arith.subi %add3A_429, %select_n3A_425 : vector<16xi32>
      %mul3A_431 = arith.constant 128 : i32
      %mul3A_432 = arith.muli %scan3A_96, %mul3A_431 : i32
      %add3A_433 = arith.addi %mul3A_9, %mul3A_432 : i32
      %add3A_434 = arith.constant 112 : i32
      %add3A_435 = arith.addi %add3A_433, %add3A_434 : i32
      %add3A_436 = vector.broadcast %add3A_435 : i32 to vector<16xi32>
      %add3A_437 = arith.addi %add3A_436, %iota3A : vector<16xi32>
      %shift_right_arithmetic3A_438 = arith.constant 7 : i32
      %shift_right_arithmetic3A_439 = vector.broadcast %shift_right_arithmetic3A_438 : i32 to vector<16xi32>
      %shift_right_arithmetic3A_440 = arith.shrsi %sub3A_430, %shift_right_arithmetic3A_439 : vector<16xi32>
      %and3A_441 = arith.constant 127 : i32
      %and3A_442 = vector.broadcast %and3A_441 : i32 to vector<16xi32>
      %and3A_443 = arith.andi %sub3A_430, %and3A_442 : vector<16xi32>
      tpu.vector_store_idx %arg10[%shift_right_arithmetic3A_440, %and3A_443], %add3A_437 masked %or3A_420 : memref<4x128xi32, #tpu.memory_space<vmem>>[vector<16xi32>, vector<16xi32>], vector<16xi32>, vector<16xi1>
      %all_reduce_population_count3A_444 = tpu.all_reduce %or3A_420 {dim = 0 : i64, kind = #tpu.reduction_kind<sum>} : vector<16xi1> -> vector<16xi32>
      %add3A_445 = arith.addi %add3A_400, %all_reduce_population_count3A_444 : vector<16xi32>
      %all_reduce_population_count3A_446 = tpu.all_reduce %eq3A_407 {dim = 0 : i64, kind = #tpu.reduction_kind<sum>} : vector<16xi1> -> vector<16xi32>
      %add3A_447 = arith.addi %add3A_402, %all_reduce_population_count3A_446 : vector<16xi32>
      scf.yield %add3A_445, %add3A_447 : vector<16xi32>, vector<16xi32>
    }
    %scan3A_15 = arith.constant 64 : i32
    %dma_start3A = arith.constant 0 : i32
    %dma_start3A_16 = arith.constant 0 : i32
    %dma_start3A_17 = arith.constant 0 : i32
    %dma_start3A_18 = tpu.memref_slice %arg11[%dma_start3A_16, %dma_start3A_17] : memref<512x128xf32, #tpu.memory_space<vmem>> -> memref<128x128xf32, #tpu.memory_space<vmem>>
    %dma_start3A_19 = arith.constant 0 : i32
    %dma_start3A_20 = tpu.memref_slice %arg10[%dma_start3A, %dma_start3A_19] : memref<4x128xi32, #tpu.memory_space<vmem>> -> memref<1x128xi32, #tpu.memory_space<vmem>>
    %dma_start3A_21 = tpu.memref_squeeze %dma_start3A_20 : memref<1x128xi32, #tpu.memory_space<vmem>> -> memref<128xi32, #tpu.memory_space<vmem>>
    %dma_start3A_22 = arith.constant 0 : i32
    %dma_start3A_23 = arith.constant 0 : i32
    %dma_start3A_24 = tpu.memref_slice %arg5[%dma_start3A_22, %dma_start3A_23] : memref<262144x128xf32, #tpu.memory_space<hbm>> -> memref<262144x128xf32, #tpu.memory_space<hbm>>
    tpu.enqueue_indirect_dma source(%dma_start3A_24 : memref<262144x128xf32, #tpu.memory_space<hbm>>) target(%dma_start3A_18 : memref<128x128xf32, #tpu.memory_space<vmem>>) offsets(%dma_start3A_21 : memref<128xi32, #tpu.memory_space<vmem>>) semaphore(%arg12 : memref<!tpu.dma_semaphore, #tpu.memory_space<semaphore_mem>>)
    %dma_start3A_25 = arith.constant 1 : i32
    %dma_start3A_26 = arith.constant 128 : i32
    %dma_start3A_27 = arith.constant 0 : i32
    %dma_start3A_28 = tpu.memref_slice %arg11[%dma_start3A_26, %dma_start3A_27] : memref<512x128xf32, #tpu.memory_space<vmem>> -> memref<128x128xf32, #tpu.memory_space<vmem>>
    %dma_start3A_29 = arith.constant 0 : i32
    %dma_start3A_30 = tpu.memref_slice %arg10[%dma_start3A_25, %dma_start3A_29] : memref<4x128xi32, #tpu.memory_space<vmem>> -> memref<1x128xi32, #tpu.memory_space<vmem>>
    %dma_start3A_31 = tpu.memref_squeeze %dma_start3A_30 : memref<1x128xi32, #tpu.memory_space<vmem>> -> memref<128xi32, #tpu.memory_space<vmem>>
    %dma_start3A_32 = arith.constant 0 : i32
    %dma_start3A_33 = arith.constant 0 : i32
    %dma_start3A_34 = tpu.memref_slice %arg5[%dma_start3A_32, %dma_start3A_33] : memref<262144x128xf32, #tpu.memory_space<hbm>> -> memref<262144x128xf32, #tpu.memory_space<hbm>>
    tpu.enqueue_indirect_dma source(%dma_start3A_34 : memref<262144x128xf32, #tpu.memory_space<hbm>>) target(%dma_start3A_28 : memref<128x128xf32, #tpu.memory_space<vmem>>) offsets(%dma_start3A_31 : memref<128xi32, #tpu.memory_space<vmem>>) semaphore(%arg12 : memref<!tpu.dma_semaphore, #tpu.memory_space<semaphore_mem>>)
    %dma_start3A_35 = arith.constant 2 : i32
    %dma_start3A_36 = arith.constant 256 : i32
    %dma_start3A_37 = arith.constant 0 : i32
    %dma_start3A_38 = tpu.memref_slice %arg11[%dma_start3A_36, %dma_start3A_37] : memref<512x128xf32, #tpu.memory_space<vmem>> -> memref<128x128xf32, #tpu.memory_space<vmem>>
    %dma_start3A_39 = arith.constant 0 : i32
    %dma_start3A_40 = tpu.memref_slice %arg10[%dma_start3A_35, %dma_start3A_39] : memref<4x128xi32, #tpu.memory_space<vmem>> -> memref<1x128xi32, #tpu.memory_space<vmem>>
    %dma_start3A_41 = tpu.memref_squeeze %dma_start3A_40 : memref<1x128xi32, #tpu.memory_space<vmem>> -> memref<128xi32, #tpu.memory_space<vmem>>
    %dma_start3A_42 = arith.constant 0 : i32
    %dma_start3A_43 = arith.constant 0 : i32
    %dma_start3A_44 = tpu.memref_slice %arg5[%dma_start3A_42, %dma_start3A_43] : memref<262144x128xf32, #tpu.memory_space<hbm>> -> memref<262144x128xf32, #tpu.memory_space<hbm>>
    tpu.enqueue_indirect_dma source(%dma_start3A_44 : memref<262144x128xf32, #tpu.memory_space<hbm>>) target(%dma_start3A_38 : memref<128x128xf32, #tpu.memory_space<vmem>>) offsets(%dma_start3A_41 : memref<128xi32, #tpu.memory_space<vmem>>) semaphore(%arg12 : memref<!tpu.dma_semaphore, #tpu.memory_space<semaphore_mem>>)
    %dma_start3A_45 = arith.constant 3 : i32
    %dma_start3A_46 = arith.constant 384 : i32
    %dma_start3A_47 = arith.constant 0 : i32
    %dma_start3A_48 = tpu.memref_slice %arg11[%dma_start3A_46, %dma_start3A_47] : memref<512x128xf32, #tpu.memory_space<vmem>> -> memref<128x128xf32, #tpu.memory_space<vmem>>
    %dma_start3A_49 = arith.constant 0 : i32
    %dma_start3A_50 = tpu.memref_slice %arg10[%dma_start3A_45, %dma_start3A_49] : memref<4x128xi32, #tpu.memory_space<vmem>> -> memref<1x128xi32, #tpu.memory_space<vmem>>
    %dma_start3A_51 = tpu.memref_squeeze %dma_start3A_50 : memref<1x128xi32, #tpu.memory_space<vmem>> -> memref<128xi32, #tpu.memory_space<vmem>>
    %dma_start3A_52 = arith.constant 0 : i32
    %dma_start3A_53 = arith.constant 0 : i32
    %dma_start3A_54 = tpu.memref_slice %arg5[%dma_start3A_52, %dma_start3A_53] : memref<262144x128xf32, #tpu.memory_space<hbm>> -> memref<262144x128xf32, #tpu.memory_space<hbm>>
    tpu.enqueue_indirect_dma source(%dma_start3A_54 : memref<262144x128xf32, #tpu.memory_space<hbm>>) target(%dma_start3A_48 : memref<128x128xf32, #tpu.memory_space<vmem>>) offsets(%dma_start3A_51 : memref<128xi32, #tpu.memory_space<vmem>>) semaphore(%arg12 : memref<!tpu.dma_semaphore, #tpu.memory_space<semaphore_mem>>)
    %dma_wait3A = arith.constant 0 : i32
    %dma_wait3A_55 = arith.constant 0 : i32
    %dma_wait3A_56 = arith.constant 0 : i32
    %dma_wait3A_57 = tpu.memref_slice %arg11[%dma_wait3A_55, %dma_wait3A_56] : memref<512x128xf32, #tpu.memory_space<vmem>> -> memref<128x128xf32, #tpu.memory_space<vmem>>
    %dma_wait3A_58 = arith.constant 0 : i32
    %dma_wait3A_59 = tpu.memref_slice %arg10[%dma_wait3A, %dma_wait3A_58] : memref<4x128xi32, #tpu.memory_space<vmem>> -> memref<1x128xi32, #tpu.memory_space<vmem>>
    %dma_wait3A_60 = tpu.memref_squeeze %dma_wait3A_59 : memref<1x128xi32, #tpu.memory_space<vmem>> -> memref<128xi32, #tpu.memory_space<vmem>>
    %dma_wait3A_61 = arith.constant 0 : i32
    %dma_wait3A_62 = arith.constant 0 : i32
    %dma_wait3A_63 = tpu.memref_slice %arg5[%dma_wait3A_61, %dma_wait3A_62] : memref<262144x128xf32, #tpu.memory_space<hbm>> -> memref<262144x128xf32, #tpu.memory_space<hbm>>
    tpu.wait_indirect_dma semaphore(%arg12 : memref<!tpu.dma_semaphore, #tpu.memory_space<semaphore_mem>>) src(%dma_wait3A_63 : memref<262144x128xf32, #tpu.memory_space<hbm>>) dst(%dma_wait3A_57 : memref<128x128xf32, #tpu.memory_space<vmem>>)
    %dma_wait3A_64 = arith.constant 1 : i32
    %dma_wait3A_65 = arith.constant 128 : i32
    %dma_wait3A_66 = arith.constant 0 : i32
    %dma_wait3A_67 = tpu.memref_slice %arg11[%dma_wait3A_65, %dma_wait3A_66] : memref<512x128xf32, #tpu.memory_space<vmem>> -> memref<128x128xf32, #tpu.memory_space<vmem>>
    %dma_wait3A_68 = arith.constant 0 : i32
    %dma_wait3A_69 = tpu.memref_slice %arg10[%dma_wait3A_64, %dma_wait3A_68] : memref<4x128xi32, #tpu.memory_space<vmem>> -> memref<1x128xi32, #tpu.memory_space<vmem>>
    %dma_wait3A_70 = tpu.memref_squeeze %dma_wait3A_69 : memref<1x128xi32, #tpu.memory_space<vmem>> -> memref<128xi32, #tpu.memory_space<vmem>>
    %dma_wait3A_71 = arith.constant 0 : i32
    %dma_wait3A_72 = arith.constant 0 : i32
    %dma_wait3A_73 = tpu.memref_slice %arg5[%dma_wait3A_71, %dma_wait3A_72] : memref<262144x128xf32, #tpu.memory_space<hbm>> -> memref<262144x128xf32, #tpu.memory_space<hbm>>
    tpu.wait_indirect_dma semaphore(%arg12 : memref<!tpu.dma_semaphore, #tpu.memory_space<semaphore_mem>>) src(%dma_wait3A_73 : memref<262144x128xf32, #tpu.memory_space<hbm>>) dst(%dma_wait3A_67 : memref<128x128xf32, #tpu.memory_space<vmem>>)
    %dma_wait3A_74 = arith.constant 2 : i32
    %dma_wait3A_75 = arith.constant 256 : i32
    %dma_wait3A_76 = arith.constant 0 : i32
    %dma_wait3A_77 = tpu.memref_slice %arg11[%dma_wait3A_75, %dma_wait3A_76] : memref<512x128xf32, #tpu.memory_space<vmem>> -> memref<128x128xf32, #tpu.memory_space<vmem>>
    %dma_wait3A_78 = arith.constant 0 : i32
    %dma_wait3A_79 = tpu.memref_slice %arg10[%dma_wait3A_74, %dma_wait3A_78] : memref<4x128xi32, #tpu.memory_space<vmem>> -> memref<1x128xi32, #tpu.memory_space<vmem>>
    %dma_wait3A_80 = tpu.memref_squeeze %dma_wait3A_79 : memref<1x128xi32, #tpu.memory_space<vmem>> -> memref<128xi32, #tpu.memory_space<vmem>>
    %dma_wait3A_81 = arith.constant 0 : i32
    %dma_wait3A_82 = arith.constant 0 : i32
    %dma_wait3A_83 = tpu.memref_slice %arg5[%dma_wait3A_81, %dma_wait3A_82] : memref<262144x128xf32, #tpu.memory_space<hbm>> -> memref<262144x128xf32, #tpu.memory_space<hbm>>
    tpu.wait_indirect_dma semaphore(%arg12 : memref<!tpu.dma_semaphore, #tpu.memory_space<semaphore_mem>>) src(%dma_wait3A_83 : memref<262144x128xf32, #tpu.memory_space<hbm>>) dst(%dma_wait3A_77 : memref<128x128xf32, #tpu.memory_space<vmem>>)
    %dma_wait3A_84 = arith.constant 3 : i32
    %dma_wait3A_85 = arith.constant 384 : i32
    %dma_wait3A_86 = arith.constant 0 : i32
    %dma_wait3A_87 = tpu.memref_slice %arg11[%dma_wait3A_85, %dma_wait3A_86] : memref<512x128xf32, #tpu.memory_space<vmem>> -> memref<128x128xf32, #tpu.memory_space<vmem>>
    %dma_wait3A_88 = arith.constant 0 : i32
    %dma_wait3A_89 = tpu.memref_slice %arg10[%dma_wait3A_84, %dma_wait3A_88] : memref<4x128xi32, #tpu.memory_space<vmem>> -> memref<1x128xi32, #tpu.memory_space<vmem>>
    %dma_wait3A_90 = tpu.memref_squeeze %dma_wait3A_89 : memref<1x128xi32, #tpu.memory_space<vmem>> -> memref<128xi32, #tpu.memory_space<vmem>>
    %dma_wait3A_91 = arith.constant 0 : i32
    %dma_wait3A_92 = arith.constant 0 : i32
    %dma_wait3A_93 = tpu.memref_slice %arg5[%dma_wait3A_91, %dma_wait3A_92] : memref<262144x128xf32, #tpu.memory_space<hbm>> -> memref<262144x128xf32, #tpu.memory_space<hbm>>
    tpu.wait_indirect_dma semaphore(%arg12 : memref<!tpu.dma_semaphore, #tpu.memory_space<semaphore_mem>>) src(%dma_wait3A_93 : memref<262144x128xf32, #tpu.memory_space<hbm>>) dst(%dma_wait3A_87 : memref<128x128xf32, #tpu.memory_space<vmem>>)
    %mul3A_94 = arith.constant 512 : i32
    %mul3A_95 = arith.muli %add3A, %mul3A_94 : i32
    "tpu.region"() ({
      %run_scoped3A = tpu.sem_alloc : memref<!tpu.dma_semaphore, #tpu.memory_space<semaphore_mem>>
      %dma_start3A_96 = arith.constant 0 : i32
      %dma_start3A_97 = tpu.memref_slice %arg6[%mul3A_95, %dma_start3A_96] : memref<16384x128xf32, #tpu.memory_space<hbm>> -> memref<512x128xf32, #tpu.memory_space<hbm>>
      %dma_start3A_98 = arith.constant 0 : i32
      %dma_start3A_99 = tpu.memref_slice %arg6[%mul3A_95, %dma_start3A_98] : memref<16384x128xf32, #tpu.memory_space<hbm>> -> memref<512x128xf32, #tpu.memory_space<hbm>>
      tpu.enqueue_dma source(%arg11 : memref<512x128xf32, #tpu.memory_space<vmem>>) target(%dma_start3A_99 : memref<512x128xf32, #tpu.memory_space<hbm>>) target_semaphore(%run_scoped3A : memref<!tpu.dma_semaphore, #tpu.memory_space<semaphore_mem>>)
      %dma_wait3A_100 = arith.constant 0 : i32
      %dma_wait3A_101 = tpu.memref_slice %arg6[%mul3A_95, %dma_wait3A_100] : memref<16384x128xf32, #tpu.memory_space<hbm>> -> memref<512x128xf32, #tpu.memory_space<hbm>>
      %dma_wait3A_102 = arith.constant 0 : i32
      %dma_wait3A_103 = tpu.memref_slice %arg6[%mul3A_95, %dma_wait3A_102] : memref<16384x128xf32, #tpu.memory_space<hbm>> -> memref<512x128xf32, #tpu.memory_space<hbm>>
      tpu.wait_dma2 semaphore(%run_scoped3A : memref<!tpu.dma_semaphore, #tpu.memory_space<semaphore_mem>>) src(%arg11 : memref<512x128xf32, #tpu.memory_space<vmem>>) dst(%dma_wait3A_103 : memref<512x128xf32, #tpu.memory_space<hbm>>)
      tpu.yield
    }) : () -> ()
    return
  }
}

module attributes {stable_mosaic.version = 14 : i64} {
  func.func @_scores_body(%arg0: i32, %arg1: memref<1x8192x128xf32, #tpu.memory_space<vmem>>, %arg2: memref<1x64x128xi32, #tpu.memory_space<vmem>>, %arg3: memref<32x1x128xi32, #tpu.memory_space<vmem>>, %arg4: memref<32x1x128xi32, #tpu.memory_space<vmem>>, %arg5: memref<64x128xf32, #tpu.memory_space<vmem>>, %arg6: memref<32x64x128xf32, #tpu.memory_space<vmem>>) attributes {dimension_semantics = [#tpu.dimension_semantics<arbitrary>], iteration_bounds = array<i64: 33>, scalar_prefetch = 0 : i64, scratch_operands = 2 : i64, tpu.core_type = #tpu.core_type<tc>, window_params = [{transform_indices = @transform_0, window_bounds = array<i64: 1, 8192, 128>}, {transform_indices = @transform_1, window_bounds = array<i64: 1, 64, 128>}, {pipeline_mode = #tpu.pipeline_mode<synchronous>, transform_indices = @transform_2, window_bounds = array<i64: 32, 1, 128>}, {pipeline_mode = #tpu.pipeline_mode<synchronous>, transform_indices = @transform_3, window_bounds = array<i64: 32, 1, 128>}]} {
    %lt3A = arith.constant 32 : i32
    %lt3A_0 = arith.cmpi slt, %arg0, %lt3A : i32
    %convert_element_type3A = arith.extui %lt3A_0 : i1 to i32
    %cond3A = arith.constant 0 : i32
    %cond3A_1 = arith.cmpi ne, %convert_element_type3A, %cond3A : i32
    scf.if %cond3A_1 {
      %get3A = arith.constant 0 : index
      %get3A_6 = arith.constant 0 : index
      %get3A_7 = arith.constant 0 : index
      %get3A_8 = vector.load %arg1[%get3A, %get3A_6, %get3A_7] : memref<1x8192x128xf32, #tpu.memory_space<vmem>>, vector<1x8192x128xf32>
      %get3A_9 = vector.shape_cast %get3A_8 : vector<1x8192x128xf32> to vector<8192x128xf32>
      %reduce_sum3A = arith.constant dense<0.000000e+00> : vector<128xf32>
      %reduce_sum3A_10 = vector.multi_reduction <add>, %get3A_9, %reduce_sum3A [0] : vector<8192x128xf32> to vector<128xf32>
      %broadcast_in_dim3A = vector.shape_cast %reduce_sum3A_10 : vector<128xf32> to vector<1x128xf32>
      %mul3A = arith.constant 1.22070313E-4 : f32
      %mul3A_11 = vector.broadcast %mul3A : f32 to vector<1x128xf32>
      %mul3A_12 = arith.mulf %broadcast_in_dim3A, %mul3A_11 : vector<1x128xf32>
      %sub3A = vector.broadcast %mul3A_12 : vector<1x128xf32> to vector<8192x128xf32>
      %sub3A_13 = arith.subf %get3A_9, %sub3A : vector<8192x128xf32>
      %mul3A_14 = arith.mulf %sub3A_13, %sub3A_13 : vector<8192x128xf32>
      %reshape3A = vector.shape_cast %mul3A_14 : vector<8192x128xf32> to vector<64x128x128xf32>
      %reduce_sum3A_15 = arith.constant dense<0.000000e+00> : vector<64x128xf32>
      %reduce_sum3A_16 = vector.multi_reduction <add>, %reshape3A, %reduce_sum3A_15 [2] : vector<64x128x128xf32> to vector<64x128xf32>
      %swap3A = arith.constant 0 : index
      %swap3A_17 = arith.constant 0 : index
      %swap3A_18 = vector.load %arg5[%swap3A, %swap3A_17] : memref<64x128xf32, #tpu.memory_space<vmem>>, vector<64x128xf32>
      tpu.vector_store %arg5[%swap3A, %swap3A_17], %reduce_sum3A_16 {strides = array<i32>} : memref<64x128xf32, #tpu.memory_space<vmem>>, vector<64x128xf32>,
      %get3A_19 = arith.constant 0 : index
      %get3A_20 = arith.constant 0 : index
      %get3A_21 = vector.load %arg5[%get3A_19, %get3A_20] : memref<64x128xf32, #tpu.memory_space<vmem>>, vector<64x128xf32>
      %sqrt3A = math.sqrt %get3A_21 : vector<64x128xf32>
      %bitcast_convert_type3A = tpu.bitcast %sqrt3A : vector<64x128xf32> -> vector<64x128xi32>
      %swap3A_22 = arith.constant 0 : index
      %swap3A_23 = arith.constant 0 : index
      %swap3A_24 = arith.constant 0 : index
      %swap3A_25 = vector.load %arg2[%swap3A_22, %swap3A_23, %swap3A_24] : memref<1x64x128xi32, #tpu.memory_space<vmem>>, vector<1x64x128xi32>
      %swap3A_26 = vector.shape_cast %swap3A_25 : vector<1x64x128xi32> to vector<64x128xi32>
      %swap3A_27 = vector.shape_cast %bitcast_convert_type3A : vector<64x128xi32> to vector<1x64x128xi32>
      tpu.vector_store %arg2[%swap3A_22, %swap3A_23, %swap3A_24], %swap3A_27 {strides = array<i32>} : memref<1x64x128xi32, #tpu.memory_space<vmem>>, vector<1x64x128xi32>,
      %swap3A_28 = arith.index_cast %arg0 : i32 to index
      %swap3A_29 = arith.constant 0 : index
      %swap3A_30 = arith.constant 0 : index
      %swap3A_31 = vector.load %arg6[%swap3A_28, %swap3A_29, %swap3A_30] : memref<32x64x128xf32, #tpu.memory_space<vmem>>, vector<1x64x128xf32>
      %swap3A_32 = vector.shape_cast %swap3A_31 : vector<1x64x128xf32> to vector<64x128xf32>
      %swap3A_33 = vector.shape_cast %sqrt3A : vector<64x128xf32> to vector<1x64x128xf32>
      tpu.vector_store %arg6[%swap3A_28, %swap3A_29, %swap3A_30], %swap3A_33 {strides = array<i32>} : memref<32x64x128xf32, #tpu.memory_space<vmem>>, vector<1x64x128xf32>,
    } else {
    }
    %eq3A = arith.constant 32 : i32
    %eq3A_2 = arith.cmpi eq, %arg0, %eq3A : i32
    %convert_element_type3A_3 = arith.extui %eq3A_2 : i1 to i32
    %cond3A_4 = arith.constant 0 : i32
    %cond3A_5 = arith.cmpi ne, %convert_element_type3A_3, %cond3A_4 : i32
    scf.if %cond3A_5 {
      %get3A = arith.constant 0 : index
      %get3A_6 = arith.constant 0 : index
      %get3A_7 = arith.constant 0 : index
      %get3A_8 = vector.load %arg6[%get3A, %get3A_6, %get3A_7] : memref<32x64x128xf32, #tpu.memory_space<vmem>>, vector<32x64x128xf32>
      %bitcast_convert_type3A = tpu.bitcast %get3A_8 : vector<32x64x128xf32> -> vector<32x64x128xi32>
      %reduce_max3A = arith.constant dense<-2147483648> : vector<32xi32>
      %reduce_max3A_9 = vector.multi_reduction <maxsi>, %bitcast_convert_type3A, %reduce_max3A [1, 2] : vector<32x64x128xi32> to vector<32xi32>
      %broadcast_in_dim3A = vector.shape_cast %reduce_max3A_9 : vector<32xi32> to vector<32x1x1xi32>
      %reduce_min3A = arith.constant dense<2147483647> : vector<32xi32>
      %reduce_min3A_10 = vector.multi_reduction <minsi>, %bitcast_convert_type3A, %reduce_min3A [1, 2] : vector<32x64x128xi32> to vector<32xi32>
      %broadcast_in_dim3A_11 = vector.shape_cast %reduce_min3A_10 : vector<32xi32> to vector<32x1x1xi32>
      %xor3A = arith.xori %broadcast_in_dim3A, %broadcast_in_dim3A_11 : vector<32x1x1xi32>
      %reduce_max3A_12 = vector.shape_cast %xor3A : vector<32x1x1xi32> to vector<1x32x1x1xi32>
      %reduce_max3A_13 = arith.constant dense<-2147483648> : vector<1xi32>
      %reduce_max3A_14 = vector.multi_reduction <maxsi>, %reduce_max3A_12, %reduce_max3A_13 [1, 2, 3] : vector<1x32x1x1xi32> to vector<1xi32>
      %reduce_max3A_15 = vector.shape_cast %reduce_max3A_14 : vector<1xi32> to vector<1x1x1x1xi32>
      %reduce_max3A_16 = vector.extract %reduce_max3A_15[0, 0, 0, 0] : i32 from vector<1x1x1x1xi32>
      %convert_element_type3A_17 = arith.sitofp %reduce_max3A_16 : i32 to f32
      %bitcast_convert_type3A_18 = arith.bitcast %convert_element_type3A_17 : f32 to i32
      %shift_right_arithmetic3A = arith.constant 23 : i32
      %shift_right_arithmetic3A_19 = arith.shrsi %bitcast_convert_type3A_18, %shift_right_arithmetic3A : i32
      %sub3A = arith.constant 126 : i32
      %sub3A_20 = arith.subi %shift_right_arithmetic3A_19, %sub3A : i32
      %max3A = arith.constant 0 : i32
      %max3A_21 = arith.maxsi %sub3A_20, %max3A : i32
      %sub3A_22 = arith.constant 31 : i32
      %sub3A_23 = arith.subi %sub3A_22, %max3A_21 : i32
      %max3A_24 = arith.constant 0 : i32
      %max3A_25 = arith.maxsi %sub3A_23, %max3A_24 : i32
      %shift_left3A = arith.constant 1 : i32
      %shift_left3A_26 = arith.shli %shift_left3A, %max3A_21 : i32
      %sub3A_27 = arith.constant 1 : i32
      %sub3A_28 = arith.subi %shift_left3A_26, %sub3A_27 : i32
      %not3A = arith.constant -1 : i32
      %not3A_29 = arith.xori %sub3A_28, %not3A : i32
      %and3A = vector.broadcast %not3A_29 : i32 to vector<32x1x1xi32>
      %and3A_30 = arith.andi %broadcast_in_dim3A, %and3A : vector<32x1x1xi32>
      %while3A = arith.constant 31 : i32
      %while3A_31 = arith.subi %while3A, %max3A_25 : i32
      %while3A_32 = arith.addi %max3A_25, %while3A_31 : i32
      %while3A_33 = arith.constant 1 : i32
      %while3A_34 = arith.divsi %while3A_31, %while3A_33 : i32
      %while3A_35 = arith.muli %while3A_34, %while3A_33 : i32
      %while3A_36 = arith.addi %max3A_25, %while3A_35 : i32
      %while3A_37 = arith.constant 1 : i32
      %while3A_38 = scf.for %while3A_61 = %max3A_25 to %while3A_36 step %while3A_37 iter_args(%while3A_62 = %and3A_30) -> (vector<32x1x1xi32>)  : i32 {
        %sub3A_63 = arith.constant 30 : i32
        %sub3A_64 = arith.subi %sub3A_63, %while3A_61 : i32
        %shift_left3A_65 = arith.constant 1 : i32
        %shift_left3A_66 = arith.shli %shift_left3A_65, %sub3A_64 : i32
        %or3A = vector.broadcast %shift_left3A_66 : i32 to vector<32x1x1xi32>
        %or3A_67 = arith.ori %while3A_62, %or3A : vector<32x1x1xi32>
        %ge3A = vector.broadcast %or3A_67 : vector<32x1x1xi32> to vector<32x64x128xi32>
        %ge3A_68 = arith.cmpi sge, %bitcast_convert_type3A, %ge3A : vector<32x64x128xi32>
        %jit3A_69 = arith.constant 1 : i32
        %jit3A_70 = arith.constant 0 : i32
        %broadcast_in_dim3A_71 = vector.broadcast %jit3A_69 : i32 to vector<32x64x128xi32>
        %broadcast_in_dim3A_72 = vector.broadcast %jit3A_70 : i32 to vector<32x64x128xi32>
        %select_n3A_73 = arith.select %ge3A_68, %broadcast_in_dim3A_71, %broadcast_in_dim3A_72 : vector<32x64x128xi1>, vector<32x64x128xi32>
        %reduce_sum3A_74 = arith.constant dense<0> : vector<32xi32>
        %reduce_sum3A_75 = vector.multi_reduction <add>, %select_n3A_73, %reduce_sum3A_74 [1, 2] : vector<32x64x128xi32> to vector<32xi32>
        %broadcast_in_dim3A_76 = vector.shape_cast %reduce_sum3A_75 : vector<32xi32> to vector<32x1x1xi32>
        %ge3A_77 = arith.constant 512 : i32
        %ge3A_78 = vector.broadcast %ge3A_77 : i32 to vector<32x1x1xi32>
        %ge3A_79 = arith.cmpi sge, %broadcast_in_dim3A_76, %ge3A_78 : vector<32x1x1xi32>
        %select_n3A_80 = arith.select %ge3A_79, %or3A_67, %while3A_62 : vector<32x1x1xi1>, vector<32x1x1xi32>
        scf.yield %select_n3A_80 : vector<32x1x1xi32>
      }
      %while3A_39 = arith.constant 1 : i32
      %while3A_40 = scf.for %while3A_61 = %while3A_36 to %while3A_32 step %while3A_39 iter_args(%while3A_62 = %while3A_38) -> (vector<32x1x1xi32>)  : i32 {
        %sub3A_63 = arith.constant 30 : i32
        %sub3A_64 = arith.subi %sub3A_63, %while3A_61 : i32
        %shift_left3A_65 = arith.constant 1 : i32
        %shift_left3A_66 = arith.shli %shift_left3A_65, %sub3A_64 : i32
        %or3A = vector.broadcast %shift_left3A_66 : i32 to vector<32x1x1xi32>
        %or3A_67 = arith.ori %while3A_62, %or3A : vector<32x1x1xi32>
        %ge3A = vector.broadcast %or3A_67 : vector<32x1x1xi32> to vector<32x64x128xi32>
        %ge3A_68 = arith.cmpi sge, %bitcast_convert_type3A, %ge3A : vector<32x64x128xi32>
        %jit3A_69 = arith.constant 1 : i32
        %jit3A_70 = arith.constant 0 : i32
        %broadcast_in_dim3A_71 = vector.broadcast %jit3A_69 : i32 to vector<32x64x128xi32>
        %broadcast_in_dim3A_72 = vector.broadcast %jit3A_70 : i32 to vector<32x64x128xi32>
        %select_n3A_73 = arith.select %ge3A_68, %broadcast_in_dim3A_71, %broadcast_in_dim3A_72 : vector<32x64x128xi1>, vector<32x64x128xi32>
        %reduce_sum3A_74 = arith.constant dense<0> : vector<32xi32>
        %reduce_sum3A_75 = vector.multi_reduction <add>, %select_n3A_73, %reduce_sum3A_74 [1, 2] : vector<32x64x128xi32> to vector<32xi32>
        %broadcast_in_dim3A_76 = vector.shape_cast %reduce_sum3A_75 : vector<32xi32> to vector<32x1x1xi32>
        %ge3A_77 = arith.constant 512 : i32
        %ge3A_78 = vector.broadcast %ge3A_77 : i32 to vector<32x1x1xi32>
        %ge3A_79 = arith.cmpi sge, %broadcast_in_dim3A_76, %ge3A_78 : vector<32x1x1xi32>
        %select_n3A_80 = arith.select %ge3A_79, %or3A_67, %while3A_62 : vector<32x1x1xi1>, vector<32x1x1xi32>
        scf.yield %select_n3A_80 : vector<32x1x1xi32>
      }
      %gt3A = vector.broadcast %while3A_40 : vector<32x1x1xi32> to vector<32x64x128xi32>
      %gt3A_41 = arith.cmpi sgt, %bitcast_convert_type3A, %gt3A : vector<32x64x128xi32>
      %jit3A = arith.constant 1 : i32
      %jit3A_42 = arith.constant 0 : i32
      %broadcast_in_dim3A_43 = vector.broadcast %jit3A : i32 to vector<32x64x128xi32>
      %broadcast_in_dim3A_44 = vector.broadcast %jit3A_42 : i32 to vector<32x64x128xi32>
      %select_n3A = arith.select %gt3A_41, %broadcast_in_dim3A_43, %broadcast_in_dim3A_44 : vector<32x64x128xi1>, vector<32x64x128xi32>
      %reduce_sum3A = arith.constant dense<0> : vector<32xi32>
      %reduce_sum3A_45 = vector.multi_reduction <add>, %select_n3A, %reduce_sum3A [1, 2] : vector<32x64x128xi32> to vector<32xi32>
      %broadcast_in_dim3A_46 = vector.shape_cast %reduce_sum3A_45 : vector<32xi32> to vector<32x1x1xi32>
      %broadcast_in_dim3A_47 = vector.shape_cast %while3A_40 : vector<32x1x1xi32> to vector<32x1x1xi32>
      %broadcast_in_dim3A_48 = vector.broadcast %broadcast_in_dim3A_47 : vector<32x1x1xi32> to vector<32x1x128xi32>
      %swap3A = arith.constant 0 : index
      %swap3A_49 = arith.constant 0 : index
      %swap3A_50 = arith.constant 0 : index
      %swap3A_51 = vector.load %arg3[%swap3A, %swap3A_49, %swap3A_50] : memref<32x1x128xi32, #tpu.memory_space<vmem>>, vector<32x1x128xi32>
      tpu.vector_store %arg3[%swap3A, %swap3A_49, %swap3A_50], %broadcast_in_dim3A_48 {strides = array<i32>} : memref<32x1x128xi32, #tpu.memory_space<vmem>>, vector<32x1x128xi32>,
      %sub3A_52 = arith.constant 512 : i32
      %sub3A_53 = vector.broadcast %sub3A_52 : i32 to vector<32x1x1xi32>
      %sub3A_54 = arith.subi %sub3A_53, %broadcast_in_dim3A_46 : vector<32x1x1xi32>
      %broadcast_in_dim3A_55 = vector.shape_cast %sub3A_54 : vector<32x1x1xi32> to vector<32x1x1xi32>
      %broadcast_in_dim3A_56 = vector.broadcast %broadcast_in_dim3A_55 : vector<32x1x1xi32> to vector<32x1x128xi32>
      %swap3A_57 = arith.constant 0 : index
      %swap3A_58 = arith.constant 0 : index
      %swap3A_59 = arith.constant 0 : index
      %swap3A_60 = vector.load %arg4[%swap3A_57, %swap3A_58, %swap3A_59] : memref<32x1x128xi32, #tpu.memory_space<vmem>>, vector<32x1x128xi32>
      tpu.vector_store %arg4[%swap3A_57, %swap3A_58, %swap3A_59], %broadcast_in_dim3A_56 {strides = array<i32>} : memref<32x1x128xi32, #tpu.memory_space<vmem>>, vector<32x1x128xi32>,
    } else {
    }
    return
  }
  func.func @transform_0(%arg0: i32) -> (i32, i32, i32) {
    %min3A = arith.constant 31 : i32
    %min3A_0 = arith.minsi %arg0, %min3A : i32
    %c0_i32 = arith.constant 0 : i32
    %c0_i32_1 = arith.constant 0 : i32
    %c0_i32_2 = arith.constant 0 : i32
    return %min3A_0, %c0_i32, %c0_i32_1 : i32, i32, i32
  }
  func.func @transform_1(%arg0: i32) -> (i32, i32, i32) {
    %min3A = arith.constant 31 : i32
    %min3A_0 = arith.minsi %arg0, %min3A : i32
    %c0_i32 = arith.constant 0 : i32
    %c0_i32_1 = arith.constant 0 : i32
    %c0_i32_2 = arith.constant 0 : i32
    return %min3A_0, %c0_i32, %c0_i32_1 : i32, i32, i32
  }
  func.func @transform_2(%arg0: i32) -> (i32, i32, i32) {
    %c0_i32 = arith.constant 0 : i32
    %c0_i32_0 = arith.constant 0 : i32
    %c0_i32_1 = arith.constant 0 : i32
    %c0_i32_2 = arith.constant 0 : i32
    return %c0_i32, %c0_i32_0, %c0_i32_1 : i32, i32, i32
  }
  func.func @transform_3(%arg0: i32) -> (i32, i32, i32) {
    %c0_i32 = arith.constant 0 : i32
    %c0_i32_0 = arith.constant 0 : i32
    %c0_i32_1 = arith.constant 0 : i32
    %c0_i32_2 = arith.constant 0 : i32
    return %c0_i32, %c0_i32_0, %c0_i32_1 : i32, i32, i32
  }
}

module attributes {stable_mosaic.version = 14 : i64} {
  func.func @_conv_body(%arg0: i32, %arg1: memref<8x512x128xf32, #tpu.memory_space<vmem>>, %arg2: memref<3x128x128xf32, #tpu.memory_space<vmem>>, %arg3: memref<1x128xf32, #tpu.memory_space<vmem>>, %arg4: memref<512x128xf32, #tpu.memory_space<vmem>>, %arg5: memref<8x512x128xf32, #tpu.memory_space<vmem>>) attributes {dimension_semantics = [#tpu.dimension_semantics<arbitrary>], iteration_bounds = array<i64: 4>, scalar_prefetch = 0 : i64, scratch_operands = 0 : i64, tpu.core_type = #tpu.core_type<tc>, window_params = [{transform_indices = @transform_0, window_bounds = array<i64: 8, 512, 128>}, {pipeline_mode = #tpu.pipeline_mode<synchronous>, transform_indices = @transform_1, window_bounds = array<i64: 3, 128, 128>}, {pipeline_mode = #tpu.pipeline_mode<synchronous>, transform_indices = @transform_2, window_bounds = array<i64: 1, 128>}, {pipeline_mode = #tpu.pipeline_mode<synchronous>, transform_indices = @transform_3, window_bounds = array<i64: 512, 128>}, {transform_indices = @transform_4, window_bounds = array<i64: 8, 512, 128>}]} {
    %get3A = arith.constant 0 : index
    %get3A_0 = arith.constant 0 : index
    %get3A_1 = arith.constant 0 : index
    %get3A_2 = vector.load %arg1[%get3A, %get3A_0, %get3A_1] : memref<8x512x128xf32, #tpu.memory_space<vmem>>, vector<8x512x128xf32>
    %get3A_3 = arith.constant 0 : index
    %get3A_4 = arith.constant 0 : index
    %get3A_5 = arith.constant 0 : index
    %get3A_6 = vector.load %arg2[%get3A_3, %get3A_4, %get3A_5] : memref<3x128x128xf32, #tpu.memory_space<vmem>>, vector<1x128x128xf32>
    %get3A_7 = vector.shape_cast %get3A_6 : vector<1x128x128xf32> to vector<128x128xf32>
    %dot_general3A = arith.constant dense<0.000000e+00> : vector<8x512x128xf32>
    %dot_general3A_8 = tpu.matmul %get3A_2, %get3A_7, %dot_general3A {dimension_numbers = #tpu.dot_dimension_numbers<[2], [0], [0, 1], [1], [0, 0, 0, 1, 1, 1], [], []>, transpose_lhs_hint = false} : vector<8x512x128xf32>, vector<128x128xf32>, vector<8x512x128xf32> -> vector<8x512x128xf32>
    %get3A_9 = arith.constant 1 : index
    %get3A_10 = arith.constant 0 : index
    %get3A_11 = arith.constant 0 : index
    %get3A_12 = vector.load %arg2[%get3A_9, %get3A_10, %get3A_11] : memref<3x128x128xf32, #tpu.memory_space<vmem>>, vector<1x128x128xf32>
    %get3A_13 = vector.shape_cast %get3A_12 : vector<1x128x128xf32> to vector<128x128xf32>
    %dot_general3A_14 = arith.constant dense<0.000000e+00> : vector<8x512x128xf32>
    %dot_general3A_15 = tpu.matmul %get3A_2, %get3A_13, %dot_general3A_14 {dimension_numbers = #tpu.dot_dimension_numbers<[2], [0], [0, 1], [1], [0, 0, 0, 1, 1, 1], [], []>, transpose_lhs_hint = false} : vector<8x512x128xf32>, vector<128x128xf32>, vector<8x512x128xf32> -> vector<8x512x128xf32>
    %get3A_16 = arith.constant 2 : index
    %get3A_17 = arith.constant 0 : index
    %get3A_18 = arith.constant 0 : index
    %get3A_19 = vector.load %arg2[%get3A_16, %get3A_17, %get3A_18] : memref<3x128x128xf32, #tpu.memory_space<vmem>>, vector<1x128x128xf32>
    %get3A_20 = vector.shape_cast %get3A_19 : vector<1x128x128xf32> to vector<128x128xf32>
    %dot_general3A_21 = arith.constant dense<0.000000e+00> : vector<8x512x128xf32>
    %dot_general3A_22 = tpu.matmul %get3A_2, %get3A_20, %dot_general3A_21 {dimension_numbers = #tpu.dot_dimension_numbers<[2], [0], [0, 1], [1], [0, 0, 0, 1, 1, 1], [], []>, transpose_lhs_hint = false} : vector<8x512x128xf32>, vector<128x128xf32>, vector<8x512x128xf32> -> vector<8x512x128xf32>
    %broadcast_in_dim3A = arith.constant 0.000000e+00 : f32
    %broadcast_in_dim3A_23 = vector.broadcast %broadcast_in_dim3A : f32 to vector<8x1x128xf32>
    %slice3A = vector.extract_strided_slice %dot_general3A_8 {offsets = [0, 0, 0], sizes = [8, 511, 128], strides = [1, 1, 1]} : vector<8x512x128xf32> to vector<8x511x128xf32>
    %concatenate3A = tpu.concatenate %broadcast_in_dim3A_23, %slice3A in 1 : vector<8x1x128xf32>, vector<8x511x128xf32> -> vector<8x512x128xf32>
    %add3A = arith.addf %dot_general3A_15, %concatenate3A : vector<8x512x128xf32>
    %slice3A_24 = vector.extract_strided_slice %dot_general3A_22 {offsets = [0, 1, 0], sizes = [8, 511, 128], strides = [1, 1, 1]} : vector<8x512x128xf32> to vector<8x511x128xf32>
    %concatenate3A_25 = tpu.concatenate %slice3A_24, %broadcast_in_dim3A_23 in 1 : vector<8x511x128xf32>, vector<8x1x128xf32> -> vector<8x512x128xf32>
    %add3A_26 = arith.addf %add3A, %concatenate3A_25 : vector<8x512x128xf32>
    %get3A_27 = arith.constant 0 : index
    %get3A_28 = arith.constant 0 : index
    %get3A_29 = vector.load %arg3[%get3A_27, %get3A_28] : memref<1x128xf32, #tpu.memory_space<vmem>>, vector<1x128xf32>
    %broadcast_in_dim3A_30 = vector.shape_cast %get3A_29 : vector<1x128xf32> to vector<1x1x128xf32>
    %add3A_31 = vector.broadcast %broadcast_in_dim3A_30 : vector<1x1x128xf32> to vector<8x512x128xf32>
    %add3A_32 = arith.addf %add3A_26, %add3A_31 : vector<8x512x128xf32>
    %get3A_33 = arith.constant 0 : index
    %get3A_34 = arith.constant 0 : index
    %get3A_35 = vector.load %arg4[%get3A_33, %get3A_34] : memref<512x128xf32, #tpu.memory_space<vmem>>, vector<512x128xf32>
    %broadcast_in_dim3A_36 = vector.shape_cast %get3A_35 : vector<512x128xf32> to vector<1x512x128xf32>
    %add3A_37 = vector.broadcast %broadcast_in_dim3A_36 : vector<1x512x128xf32> to vector<8x512x128xf32>
    %add3A_38 = arith.addf %add3A_32, %add3A_37 : vector<8x512x128xf32>
    %swap3A = arith.constant 0 : index
    %swap3A_39 = arith.constant 0 : index
    %swap3A_40 = arith.constant 0 : index
    %swap3A_41 = vector.load %arg5[%swap3A, %swap3A_39, %swap3A_40] : memref<8x512x128xf32, #tpu.memory_space<vmem>>, vector<8x512x128xf32>
    tpu.vector_store %arg5[%swap3A, %swap3A_39, %swap3A_40], %add3A_38 {strides = array<i32>} : memref<8x512x128xf32, #tpu.memory_space<vmem>>, vector<8x512x128xf32>,
    return
  }
  func.func @transform_0(%arg0: i32) -> (i32, i32, i32) {
    %c0_i32 = arith.constant 0 : i32
    %c0_i32_0 = arith.constant 0 : i32
    %c0_i32_1 = arith.constant 0 : i32
    return %arg0, %c0_i32, %c0_i32_0 : i32, i32, i32
  }
  func.func @transform_1(%arg0: i32) -> (i32, i32, i32) {
    %c0_i32 = arith.constant 0 : i32
    %c0_i32_0 = arith.constant 0 : i32
    %c0_i32_1 = arith.constant 0 : i32
    %c0_i32_2 = arith.constant 0 : i32
    return %c0_i32, %c0_i32_0, %c0_i32_1 : i32, i32, i32
  }
  func.func @transform_2(%arg0: i32) -> (i32, i32) {
    %c0_i32 = arith.constant 0 : i32
    %c0_i32_0 = arith.constant 0 : i32
    %c0_i32_1 = arith.constant 0 : i32
    return %c0_i32, %c0_i32_0 : i32, i32
  }
  func.func @transform_3(%arg0: i32) -> (i32, i32) {
    %c0_i32 = arith.constant 0 : i32
    %c0_i32_0 = arith.constant 0 : i32
    %c0_i32_1 = arith.constant 0 : i32
    return %c0_i32, %c0_i32_0 : i32, i32
  }
  func.func @transform_4(%arg0: i32) -> (i32, i32, i32) {
    %c0_i32 = arith.constant 0 : i32
    %c0_i32_0 = arith.constant 0 : i32
    %c0_i32_1 = arith.constant 0 : i32
    return %arg0, %c0_i32, %c0_i32_0 : i32, i32, i32
  }
}

</mosaic_0001>

<sc_bundles>
// kernel: kernel.5.cloned.1.call-start
scs
__scs_entry_jumppad:
0x0: {  	(pc) =	sbr.rel $0x88, $3  }
0x1: {  	(tag) =	ssettag $0x0;
	lr =	simm.s32 $0x1  }
0x2: {  	[smem:$0x3F9D] =	sst lr;
	_ =	strace $0xD0000000  }
0x3: {  	_ = 	snop  }
0x4: {  	_ = 	snop  }
0x5: {  	_ = 	snop  }
0x6: {  	_ = 	snop  }
0x7: {  	_ = 	snop  }
__scs_overlays_trampoline_lowered:
0x8: {  	[smem:$0x3FAC] =	sst s0  }
0x9: {  	[smem:$0x3FAD] =	sst s1  }
0xa: {  	[smem:$0x3FAE] =	sst s2  }
0xb: {  	[smem:$0x3FAF] =	sst s3  }
0xc: {  	[smem:$0x3FB0] =	sst s4  }
0xd: {  	[smem:$0x3FB1] =	sst s5  }
0xe: {  	[smem:$0x3FB2] =	sst s6  }
0xf: {  	[smem:$0x3FB3] =	sst s7  }
0x10: {  	[smem:$0x3FB4] =	sst s8  }
0x11: {  	[smem:$0x3FB5] =	sst s9;
	s0 =	simm.s32 @!p0 $0x0  }
0x12: {  	s1 =	sld [smem:$0x3F9B];
	s0 =	simm.s32 @p0 $0x1  }
0x13: {  	[smem:$0x3FB6] =	sst s0;
	s0 =	simm.s32 @!p1 $0x0  }
0x14: {  	s2 =	sld [smem:$0x3F9A];
	s0 =	simm.s32 @p1 $0x1  }
0x15: {  	[smem:$0x3FB7] =	sst s0;
	s0 =	simm.s32 @!p2 $0x0  }
0x16: {  	s3 =	sld [smem:$0x3FDB];
	s0 =	simm.s32 @p2 $0x1  }
0x17: {  	s4 =	simm.s32 $0x1BF5;
	[smem:$0x3FB9] =	sst s0  }
0x18: {  	s0 =	sld [smem:$0x3F9C];
	_ =	swait.ge [sflag:s4], $0x0  }
0x19: {  	s7 =	sld [smem:$0x3F9D]  }
0x1a: {  	s8 =	sadd.s32 $0xFFFFE003, lr  }
0x1b: {  	s9 =	sadd.s32 $0xFFFFFEF7, lr;
	s5 =	simm.s32 $0xFFFFFFFF;
	p2 =	slt.u32 s8, $0xFFFFF086  }
0x1c: {  	p1 =	slt.u32 s9, $0xF7A;
	s5 =	simm.s32 @!p2 $0x0  }
0x1d: {  	s5 =	simm.s32 @p1 $0x1;
	p0 =	seq.s32 s7, s2  }
0x1e: {  	s7 =	smul.u32 @!p0 $0xF7A, s2;
	p2 =	seq.s32 @!p0 s5, $0x0  }
0x1f: {  	s9 =	smul.u32 $0xF7A, s1;
	s8 =	simm.s32 @!p0 $0x1BF5;
	p2 =	por !p2, p0  }
0x20: {  	[sflag:s8] =	ssyncset.s32 @!p0 $0xFFFFF086;
	s6 =	sadd.s32 @!p0 s3, s7;
	s7 =	simm.s32 @!p0 $0x108  }
0x21: {  	s3 =	sadd.s32 s3, s9;
	s6 =	sadd.s32 @!p0 $0x88, s6;
	s7 =	simm.s32 @p2 $0x1082  }
0x22: {  	[simem:s7], [sflag:s8] =	dma.local @!p0 [hbm:s6], $0xF7A  }
0x23: {  	s9 =	sor.u32 $0xD0000000, s2;
	s6 =	simm.s32 $0x108;
	_ =	swait.ge @!p0 [sflag:s8], $0x0  }
0x24: {  	s3 =	sadd.s32 $0x88, s3;
	s6 =	simm.s32 @!p1 $0x1082;
	[sflag:s4] =	ssyncset.s32 $0xFFFFF086  }
0x25: {  	[simem:s6], [sflag:s4] =	dma.local [hbm:s3], $0xF7A  }
0x26: {  	[smem:$0x3F9D] =	sst s1;
	(tag) =	ssettag s2;
	_ =	strace s9  }
0x27: {  	s1 =	sld [smem:$0x3FAD]  }
0x28: {  	s2 =	sld [smem:$0x3FAE]  }
0x29: {  	s4 =	sld [smem:$0x3FB0]  }
0x2a: {  	p0 =	seq.s32 s5, $0x0;
	s5 =	sld [smem:$0x3FB1]  }
0x2b: {  	s6 =	sld [smem:$0x3FB2]  }
0x2c: {  	s7 =	sld [smem:$0x3FB3]  }
0x2d: {  	s3 =	simm.s32 $0x108;
	s8 =	sld [smem:$0x3FB4]  }
0x2e: {  	s3 =	simm.s32 @!p0 $0x1082;
	s9 =	sld [smem:$0x3FB5]  }
0x2f: {  	lr =	sadd.s32 s0, s3;
	s0 =	sld [smem:$0x3FAC]  }
0x30: {  	s3 =	sld [smem:$0x3FAF]  }
0x31: {  	[smem:$0x3FB8] =	sst s10  }
0x32: {  	s10 =	sld [smem:$0x3FB6];
	_ =	sdelay $0x3  }
0x33: {  	p0 =	seq.s32 s10, $0x1;
	s10 =	sld [smem:$0x3FB8];
	_ =	sdelay $0x3  }
0x34: {  	[smem:$0x3FB8] =	sst s10  }
0x35: {  	s10 =	sld [smem:$0x3FB7];
	_ =	sdelay $0x3  }
0x36: {  	p1 =	seq.s32 s10, $0x1;
	s10 =	sld [smem:$0x3FB8];
	_ =	sdelay $0x3  }
0x37: {  	[smem:$0x3FB8] =	sst s10  }
0x38: {  	s10 =	sld [smem:$0x3FB9]  }
0x39: {  	_ = 	snop;
	(pc) =	sbr.ind lr, $3  }
0x3a: {  	_ = 	snop  }
0x3b: {  	_ = 	snop  }
0x3c: {  	p2 =	seq.s32 s10, $0x1;
	s10 =	sld [smem:$0x3FB8]  }
0x3d: {  	_ =	shalt  }
0x3e: {  	_ =	shalt  }
0x3f: {  	_ =	shalt  }
0x40: {  	_ =	shalt  }
0x41: {  	_ =	shalt  }
0x42: {  	_ =	shalt  }
0x43: {  	_ =	shalt  }
0x44: {  	_ =	shalt  }
0x45: {  	_ =	shalt  }
0x46: {  	_ =	shalt  }
0x47: {  	_ =	shalt  }
0x48: {  	_ =	shalt  }
0x49: {  	_ =	shalt  }
0x4a: {  	_ =	shalt  }
0x4b: {  	_ =	shalt  }
0x4c: {  	_ =	shalt  }
0x4d: {  	_ =	shalt  }
0x4e: {  	_ =	shalt  }
0x4f: {  	_ =	shalt  }
0x50: {  	_ =	shalt  }
0x51: {  	_ =	shalt  }
0x52: {  	_ =	shalt  }
0x53: {  	_ =	shalt  }
0x54: {  	_ =	shalt  }
0x55: {  	_ =	shalt  }
0x56: {  	_ =	shalt  }
0x57: {  	_ =	shalt  }
0x58: {  	_ =	shalt  }
0x59: {  	_ =	shalt  }
0x5a: {  	_ =	shalt  }
0x5b: {  	_ =	shalt  }
0x5c: {  	_ =	shalt  }
0x5d: {  	_ =	shalt  }
0x5e: {  	_ =	shalt  }
0x5f: {  	_ =	shalt  }
0x60: {  	_ =	shalt  }
0x61: {  	_ =	shalt  }
0x62: {  	_ =	shalt  }
0x63: {  	_ =	shalt  }
0x64: {  	_ =	shalt  }
0x65: {  	_ =	shalt  }
0x66: {  	_ =	shalt  }
0x67: {  	_ =	shalt  }
0x68: {  	_ =	shalt  }
0x69: {  	_ =	shalt  }
0x6a: {  	_ =	shalt  }
0x6b: {  	_ =	shalt  }
0x6c: {  	_ =	shalt  }
0x6d: {  	_ =	shalt  }
0x6e: {  	_ =	shalt  }
0x6f: {  	_ =	shalt  }
0x70: {  	_ =	shalt  }
0x71: {  	_ =	shalt  }
0x72: {  	_ =	shalt  }
0x73: {  	_ =	shalt  }
0x74: {  	_ =	shalt  }
0x75: {  	_ =	shalt  }
0x76: {  	_ =	shalt  }
0x77: {  	_ =	shalt  }
0x78: {  	_ =	shalt  }
0x79: {  	_ =	shalt  }
0x7a: {  	_ =	shalt  }
0x7b: {  	_ =	shalt  }
0x7c: {  	_ =	shalt  }
0x7d: {  	_ =	shalt  }
0x7e: {  	_ =	shalt  }
0x7f: {  	_ =	shalt  }
0x80: {  	_ =	shalt  }
0x81: {  	_ =	shalt  }
0x82: {  	_ =	shalt  }
0x83: {  	_ =	shalt  }
0x84: {  	_ =	shalt  }
0x85: {  	_ =	shalt  }
0x86: {  	_ =	shalt  }
0x87: {  	_ =	shalt  }
.Lfunc_end0:
.L_simem_size_0:
called_computation_lowered:
.L_overlay_start_0:
0x88: {  	s2 =	sld [smem:$0x3FD9]  }
0x89: {  	s3 =	sld [smem:$0x3FFE];
	_ =	sdelay $0x1  }
0x8a: {  	s1 =	srdreg.scid  }
0x8b: {  	s0 =	sand.u32 $0x1, s1  }
0x8c: {  	s17 =	sshll.u32 s0, $0xA;
	s2 =	sadd.s32 s3, s2  }
0x8d: {  	s2 =	sadd.s32 s2, s17  }
0x8e: {  	[smem:$0x3FC4] =	sst s2  }
0x8f: {  	_ = 	snop  }
0x90: {  	s2 =	sld [smem:$0x3FC9]  }
0x91: {  	s18 =	sld [smem:$0x3FD0];
	(tm) =	ssettm $0x1  }
0x92: {  	s4 =	sld [smem:$0x3FFB];
	_ =	sdelay $0x3  }
0x93: {  	_ =	strace s4  }
0x94: {  	s4 =	sld [smem:$0x3FFC];
	_ =	sdelay $0x3  }
0x95: {  	_ =	strace s4  }
0x96: {  	s4 =	sld [smem:$0x3FFD];
	_ =	sdelay $0x3  }
0x97: {  	_ =	strace s4  }
0x98: {  	_ =	strace $0x8FFFFFFF  }
0x99: {  	s19 =	sld [smem:$0x3FDB];
	_ =	sdelay $0x1  }
0x9a: {  	s5 =	simm.s32 $_scs_section_size  }
0x9b: {  	s6 =	simm.s32 $_size__tile_overlayer_lowered;
	s7 =	simm.s32 $_tile_overlayer_lowered  }
0x9c: {  	s22 =	simm.s32 $0x1BFF;
	s21 =	sshll.u32 s7, $0x1;
	s4 =	sadd.s32 s5, s19  }
0x9d: {  	s8 =	simm.s32 $0x0;
	s20 =	sshll.u32 s6, $0x1;
	s6 =	sadd.s32 s21, s4  }
0x9e: {  	[timem:s8], [sflag:s22] =	dma.local [hbm:s6], s20  }
0x9f: {  	_ =	swait.ge [sflag:s22], s20  }
0xa0: {  	s5 =	ssub.s32 $0x0, s20;
	[sflag:s22] =	ssyncset.done $0x0  }
0xa1: {  	[sflag:s22] =	ssyncadd.s32 s5;
	_ =	sdelay $0x1  }
0xa2: {  	s23 =	simm.s32 $0x1B8B  }
0xa3: {  	_ =	swait.ge [sflag:s23], $0x1  }
0xa4: {  	[sflag:s23] =	ssyncset.done $0x0  }
0xa5: {  	s25 =	simm.s32 $0x1B8E;
	s24 =	sld [smem:$0x3FFE];
	[sflag:s23] =	ssyncadd.s32 $0xFFFFFFFF  }
0xa6: {  	s26 =	simm.s32 $execute0_lowered;
	[smem:$0x3FD2] =	sst s25  }
0xa7: {  	s6 =	sshll.u32 s26, $0x1;
	_ =	strace $0x80000046;
	[dreg:$0x1] =	wrdreg $0xFFFFFFFF  }
0xa8: {  	s28 =	simm.s32 $_size_execute0_lowered;
	s4 =	sadd.s32 s4, s6;
	[dreg:$0x0] =	wrdreg $0x0  }
0xa9: {  	s6 =	sshll.u32 s28, $0x1;
	[dreg:$0x2] =	wrdreg s4  }
0xaa: {  	[dreg:$0x3] =	wrdreg s6  }
0xab: {  	[dreg:$0x4] =	wrdreg $0xC0  }
0xac: {  	_ =	task [dreg:s8], $0x5FFFF  }
0xad: {  	[dreg:$0x1] =	wrdreg $0xFFFFFFFF  }
0xae: {  	[dreg:$0x0] =	wrdreg $0x60  }
0xaf: {  	[dreg:$0x2] =	wrdreg s24  }
0xb0: {  	[dreg:$0x3] =	wrdreg s2  }
0xb1: {  	[dreg:$0x4] =	wrdreg s18  }
0xb2: {  	[dreg:$0x5] =	wrdreg $0x9  }
0xb3: {  	_ =	task.clear_ibuf [dreg:s8], $0x6FFFF;
	_ =	strace $0x90000046  }
0xb4: {  	s29 =	simm.s32 $0x9;
	_ =	strace $0x80000048  }
0xb5: {  	_ =	swait.ge [sflag:s29], $0x1  }
0xb6: {  	[sflag:s29] =	ssyncadd.s32 $0xFFFFFFFF  }
0xb7: {  	_ =	strace $0x90000048  }
0xb8: {  	_ =	sfence  }
0xb9: {  	s30 =	sld [smem:$0x0];
	_ =	sdelay $0x2  }
0xba: {  	s31 =	sshll.u32 s1, $0xD;
	s1 =	sshrl.u32 s1, $0x2  }
0xbb: {  	s3 =	sand.u32 $0x4000, s31;
	s1 =	sadd.s32 s1, s30  }
0xbc: {  	s0 =	sor.u32 s3, s0;
	s1 =	sshll.u32 s1, $0x11  }
0xbd: {  	s0 =	sor.u32 s1, s0  }
0xbe: {  	s0 =	sadd.s32 $0x8F2B, s0  }
0xbf: {  	[sflag:s0] =	ssyncadd.remote.s32 $0x1  }
0xc0: {  	_ =	sfence.sel $0xFFFF  }
0xc1: {  	[dreg:$0x0] =	wrdreg $0xFFFFFFFF;
	(pc) =	sbr.abs _section_cstart, $3  }
0xc2: {  	[dreg:$0x1] =	wrdreg $0xFFFFFFFF  }
0xc3: {  	_ =	task.clear_ibuf [dreg:s8], $0x2FFFF;
	_ =	strace $0x9FFFFFFF  }
0xc4: {  	(tm) =	ssettm $0x7FFFFFFF  }
0xc5: {  	_ =	shalt  }
tec
execute0_lowered:
.L_overlay_start_1:
0x0: {  	(tag) =	ssettag $0x1  }
0x1: {  	s4 =	rddreg [dreg:$0x0]  }
0x2: {  	s1 =	rddreg [dreg:$0x1]  }
0x3: {  	s7 =	rddreg [dreg:$0x2]  }
0x4: {  	s0 =	rddreg [dreg:$0x3];
	s3 =	simm.s32 $0x0;
	s5 =	srdreg.scid  }
0x5: {  	s2 =	stileid.u32;
	s12 =	simm.s32 $0x2080;
	s13 =	simm.s32 $0x2100  }
0x6: {  	s14 =	simm.s32 $0x80;
	s15 =	simm.s32 $0x2300;
	s16 =	simm.s32 $0x2180  }
0x7: {  	s17 =	simm.s32 $0x6300;
	s18 =	simm.s32 $0x2200;
	s19 =	simm.s32 $0xA300  }
0x8: {  	s20 =	simm.s32 $0x2280;
	s21 =	simm.s32 $0xE300;
	s22 =	simm.s32 $0x1  }
0x9: {  	s23 =	simm.s32 $0x0;
	[smem:$0x7FF] =	sst s3;
	s9 =	sand.u32 $0x1, s5  }
0xa: {  	s29 =	sshll.u32 s2, $0x1;
	s31 =	sshll.u32 s2, $0xE;
	_ =	strace $0x80000047  }
0xb: {  	s5 =	sor.u32 s9, s29;
	s10 =	ssub.s32 $0x2, s9;
	s9 =	sshll.u32 s9, $0xD  }
0xc: {  	s6 =	sshll.u32 s5, $0xA;
	s8 =	sshll.u32 s5, $0x4;
	s30 =	sshrl.u32 s10, $0x1  }
0xd: {  	s11 =	sshll.u32 s5, $0xD;
	s9 =	sor.u32 s9, s31;
	s6 =	sadd.s32 s6, s4  }
0xe: {  	s8 =	sadd.s32 s8, s4;
	s10 =	ssub.s32 s10, s30;
	s7 =	sadd.s32 s7, s11  }
0xf: {  	s11 =	simm.s32 $0x2000;
	s4 =	sadd.s32 $0x1400, s6;
	s5 =	sadd.s32 $0x9400, s8  }
0x10: {  	v0 =	vimm.s32 $0x0;
	v1 =	vlaneseq.u32;
	s6 =	sadd.s32 $0x9600, s8;
	s8 =	smax.u32 s10, $0x1;
	s10 =	simm.s32 $0x2  }
.LBB2_1:
0x11: {  	[tilespmem:s3], [sflag:$0x2] =	stream.linear.gather [hbm4b:s4+s3], $0x2000, $0x38;
	[tilespmem:$0x12300] =	vst v63  }
0x12: {  	_ =	swait.ge [sflag:s10], $0x2000  }
0x13: {  	[sflag:s10] =	ssyncset.done $0x0  }
0x14: {  	[sflag:s10] =	ssyncadd.s32 $0xFFFFE000  }
0x15: {  	[tilespmem:s11], [sflag:$0x2] =	stream.linear.gather [hbm4b:s5+s3], $0x80, $0x38;
	[tilespmem:$0x12300] =	vst v63  }
0x16: {  	_ =	swait.ge [sflag:s10], $0x80  }
0x17: {  	[sflag:s10] =	ssyncset.done $0x0  }
0x18: {  	[sflag:s10] =	ssyncadd.s32 $0xFFFFFF80  }
0x19: {  	[tilespmem:s12], [sflag:$0x2] =	stream.linear.gather [hbm4b:s6+s3], $0x80, $0x38;
	[tilespmem:$0x12300] =	vst v63  }
0x1a: {  	_ =	swait.ge [sflag:s10], $0x80  }
0x1b: {  	[sflag:s10] =	ssyncset.done $0x0  }
0x1c: {  	[sflag:s10] =	ssyncadd.s32 $0xFFFFFF80  }
0x1d: {  	v2 =	vld [tilespmem:$0x2000]  }
0x1e: {  	s24 =	simm.s32 $0x40;
	s25 =	simm.s32 $0x0;
	v5 =	vimm.s32 $0x0;
	v4 =	vimm.s32 $0x0;
	v3 =	vld [tilespmem:$0x2080]  }
.LBB2_2:
0x1f: {  	v6 =	vld [tilespmem:s24+$0xFFFFFFC0];
	_ =	sdelay $0x4  }
0x20: {  	vm0 =	veq.s32 v6, v2  }
0x21: {  	v7 =	vsel vm0, $0x1, v0  }
0x22: {  	(xrf0) =	vadd.scan.msk.s32 $0xffff, v7;
	_ =	sdelay $0x4  }
0x23: {  	v7 =	vsel vm0, $0xFFFFFFFF, v0  }
0x24: {  	v7 =	vadd.s32 v7, v5;
	v8, _, _ =	vpop (xrf0)  }
0x25: {  	v7 =	vadd.s32 v8, v7  }
0x26: {  	vm1 =	vlt.s32 v7, v3  }
0x27: {  	vm2 =	vgt.s32 v6, v2;
	vm1 =	vmand vm0, vm1  }
0x28: {  	vm1 =	vmor vm2, vm1  }
0x29: {  	v6 =	vsel vm1, $0x1, v0  }
0x2a: {  	(xrf0) =	vadd.scan.msk.s32 $0xffff, v6;
	_ =	sdelay $0x4  }
0x2b: {  	v6 =	vsel vm1, $0xFFFFFFFF, v0  }
0x2c: {  	v6 =	vadd.s32 v6, v4;
	v7, _, _ =	vpop (xrf0)  }
0x2d: {  	v6 =	vadd.s32 v7, v6;
	_ =	sdelay $0x2  }
0x2e: {  	s26 =	sadd.s32 s25, s9  }
0x2f: {  	v7 =	vor.u32 s26, v1  }
0x30: {  	[tilespmem:v6+s13+$0x0] =	vst.idx.msk vm1, v7  }
0x31: {  	v6 =	vld [tilespmem:s24+$0xFFFFFFD0];
	_ =	sdelay $0x4  }
0x32: {  	vm6 =	veq.s32 v6, v2  }
0x33: {  	v7 =	vsel vm6, $0x1, v0  }
0x34: {  	(xrf0) =	vadd.scan.msk.s32 $0xffff, v7;
	_ =	sdelay $0x2  }
0x35: {  	v7 =	vmpcnt.ones.xlane vm0;
	_ =	sdelay $0x1  }
0x36: {  	v5 =	vadd.s32 v5, v7;
	v7 =	vsel vm6, $0xFFFFFFFF, v0  }
0x37: {  	v7 =	vadd.s32 v7, v5;
	v56, _, _ =	vpop (xrf0)  }
0x38: {  	v7 =	vadd.s32 v56, v7  }
0x39: {  	vm7 =	vlt.s32 v7, v3  }
0x3a: {  	vm3 =	vgt.s32 v6, v2;
	vm0 =	vmand vm6, vm7  }
0x3b: {  	vm0 =	vmor vm3, vm0  }
0x3c: {  	v6 =	vsel vm0, $0x1, v0  }
0x3d: {  	(xrf0) =	vadd.scan.msk.s32 $0xffff, v6;
	_ =	sdelay $0x2  }
0x3e: {  	v6 =	vmpcnt.ones.xlane vm1;
	_ =	sdelay $0x1  }
0x3f: {  	v4 =	vadd.s32 v4, v6;
	v6 =	vsel vm0, $0xFFFFFFFF, v0  }
0x40: {  	v6 =	vadd.s32 v6, v4;
	v7, _, _ =	vpop (xrf0)  }
0x41: {  	v6 =	vadd.s32 v7, v6;
	_ =	sdelay $0x2  }
0x42: {  	s28 =	sadd.s32 $0x10, s26  }
0x43: {  	v7 =	vor.u32 s28, v1  }
0x44: {  	[tilespmem:v6+s13+$0x0] =	vst.idx.msk vm0, v7  }
0x45: {  	v6 =	vld [tilespmem:s24+$0xFFFFFFE0];
	_ =	sdelay $0x4  }
0x46: {  	vm8 =	veq.s32 v6, v2  }
0x47: {  	v7 =	vsel vm8, $0x1, v0  }
0x48: {  	(xrf0) =	vadd.scan.msk.s32 $0xffff, v7;
	_ =	sdelay $0x2  }
0x49: {  	v7 =	vmpcnt.ones.xlane vm6;
	_ =	sdelay $0x1  }
0x4a: {  	v5 =	vadd.s32 v5, v7;
	v7 =	vsel vm8, $0xFFFFFFFF, v0  }
0x4b: {  	v7 =	vadd.s32 v7, v5;
	v57, _, _ =	vpop (xrf0)  }
0x4c: {  	v7 =	vadd.s32 v57, v7  }
0x4d: {  	vm9 =	vlt.s32 v7, v3  }
0x4e: {  	vm10 =	vgt.s32 v6, v2;
	vm2 =	vmand vm8, vm9  }
0x4f: {  	vm2 =	vmor vm10, vm2  }
0x50: {  	v6 =	vsel vm2, $0x1, v0  }
0x51: {  	(xrf0) =	vadd.scan.msk.s32 $0xffff, v6;
	_ =	sdelay $0x2  }
0x52: {  	v6 =	vmpcnt.ones.xlane vm0;
	_ =	sdelay $0x1  }
0x53: {  	v4 =	vadd.s32 v4, v6;
	v6 =	vsel vm2, $0xFFFFFFFF, v0  }
0x54: {  	v6 =	vadd.s32 v6, v4;
	v7, _, _ =	vpop (xrf0)  }
0x55: {  	v6 =	vadd.s32 v7, v6;
	_ =	sdelay $0x2  }
0x56: {  	s30 =	sadd.s32 $0x20, s26  }
0x57: {  	v7 =	vor.u32 s30, v1  }
0x58: {  	[tilespmem:v6+s13+$0x0] =	vst.idx.msk vm2, v7  }
0x59: {  	v6 =	vld [tilespmem:s24+$0xFFFFFFF0];
	_ =	sdelay $0x4  }
0x5a: {  	vm11 =	veq.s32 v6, v2  }
0x5b: {  	v7 =	vsel vm11, $0x1, v0  }
0x5c: {  	(xrf0) =	vadd.scan.msk.s32 $0xffff, v7;
	_ =	sdelay $0x2  }
0x5d: {  	v7 =	vmpcnt.ones.xlane vm8;
	_ =	sdelay $0x1  }
0x5e: {  	v5 =	vadd.s32 v5, v7;
	v7 =	vsel vm11, $0xFFFFFFFF, v0  }
0x5f: {  	v7 =	vadd.s32 v7, v5;
	v58, _, _ =	vpop (xrf0)  }
0x60: {  	v7 =	vadd.s32 v58, v7  }
0x61: {  	vm12 =	vlt.s32 v7, v3  }
0x62: {  	vm13 =	vgt.s32 v6, v2;
	vm1 =	vmand vm11, vm12  }
0x63: {  	vm1 =	vmor vm13, vm1  }
0x64: {  	v6 =	vsel vm1, $0x1, v0  }
0x65: {  	(xrf0) =	vadd.scan.msk.s32 $0xffff, v6;
	_ =	sdelay $0x2  }
0x66: {  	v6 =	vmpcnt.ones.xlane vm2;
	_ =	sdelay $0x1  }
0x67: {  	v4 =	vadd.s32 v4, v6;
	v6 =	vsel vm1, $0xFFFFFFFF, v0  }
0x68: {  	v6 =	vadd.s32 v6, v4;
	v7, _, _ =	vpop (xrf0)  }
0x69: {  	v6 =	vadd.s32 v7, v6;
	_ =	sdelay $0x2  }
0x6a: {  	s31 =	sadd.s32 $0x30, s26  }
0x6b: {  	v7 =	vor.u32 s31, v1  }
0x6c: {  	[tilespmem:v6+s13+$0x0] =	vst.idx.msk vm1, v7  }
0x6d: {  	v6 =	vld [tilespmem:s24+$0x0];
	_ =	sdelay $0x4  }
0x6e: {  	vm14 =	veq.s32 v6, v2  }
0x6f: {  	v7 =	vsel vm14, $0x1, v0  }
0x70: {  	(xrf0) =	vadd.scan.msk.s32 $0xffff, v7;
	_ =	sdelay $0x2  }
0x71: {  	v7 =	vmpcnt.ones.xlane vm11;
	_ =	sdelay $0x1  }
0x72: {  	v5 =	vadd.s32 v5, v7;
	v7 =	vsel vm14, $0xFFFFFFFF, v0  }
0x73: {  	v7 =	vadd.s32 v7, v5;
	v59, _, _ =	vpop (xrf0)  }
0x74: {  	v7 =	vadd.s32 v59, v7  }
0x75: {  	vm15 =	vlt.s32 v7, v3  }
0x76: {  	vm6 =	vgt.s32 v6, v2;
	vm0 =	vmand vm14, vm15  }
0x77: {  	vm0 =	vmor vm6, vm0  }
0x78: {  	v6 =	vsel vm0, $0x1, v0  }
0x79: {  	(xrf0) =	vadd.scan.msk.s32 $0xffff, v6;
	_ =	sdelay $0x2  }
0x7a: {  	v6 =	vmpcnt.ones.xlane vm1;
	_ =	sdelay $0x1  }
0x7b: {  	v4 =	vadd.s32 v4, v6;
	v6 =	vsel vm0, $0xFFFFFFFF, v0  }
0x7c: {  	v6 =	vadd.s32 v6, v4;
	v7, _, _ =	vpop (xrf0)  }
0x7d: {  	v6 =	vadd.s32 v7, v6;
	_ =	sdelay $0x2  }
0x7e: {  	s29 =	sadd.s32 $0x40, s26  }
0x7f: {  	v7 =	vor.u32 s29, v1  }
0x80: {  	[tilespmem:v6+s13+$0x0] =	vst.idx.msk vm0, v7  }
0x81: {  	v6 =	vld [tilespmem:s24+$0x10];
	_ =	sdelay $0x4  }
0x82: {  	vm7 =	veq.s32 v6, v2  }
0x83: {  	v7 =	vsel vm7, $0x1, v0  }
0x84: {  	(xrf0) =	vadd.scan.msk.s32 $0xffff, v7;
	_ =	sdelay $0x2  }
0x85: {  	v7 =	vmpcnt.ones.xlane vm14;
	_ =	sdelay $0x1  }
0x86: {  	v5 =	vadd.s32 v5, v7;
	v7 =	vsel vm7, $0xFFFFFFFF, v0  }
0x87: {  	v7 =	vadd.s32 v7, v5;
	v60, _, _ =	vpop (xrf0)  }
0x88: {  	v7 =	vadd.s32 v60, v7  }
0x89: {  	vm8 =	vlt.s32 v7, v3  }
0x8a: {  	vm9 =	vgt.s32 v6, v2;
	vm2 =	vmand vm7, vm8  }
0x8b: {  	vm2 =	vmor vm9, vm2  }
0x8c: {  	v6 =	vsel vm2, $0x1, v0  }
0x8d: {  	(xrf0) =	vadd.scan.msk.s32 $0xffff, v6;
	_ =	sdelay $0x2  }
0x8e: {  	v6 =	vmpcnt.ones.xlane vm0;
	_ =	sdelay $0x1  }
0x8f: {  	v4 =	vadd.s32 v4, v6;
	v6 =	vsel vm2, $0xFFFFFFFF, v0  }
0x90: {  	v6 =	vadd.s32 v6, v4;
	v7, _, _ =	vpop (xrf0)  }
0x91: {  	v6 =	vadd.s32 v7, v6;
	_ =	sdelay $0x2  }
0x92: {  	s30 =	sadd.s32 $0x50, s26  }
0x93: {  	v7 =	vor.u32 s30, v1  }
0x94: {  	[tilespmem:v6+s13+$0x0] =	vst.idx.msk vm2, v7  }
0x95: {  	v6 =	vld [tilespmem:s24+$0x20];
	_ =	sdelay $0x4  }
0x96: {  	vm10 =	veq.s32 v6, v2  }
0x97: {  	v7 =	vsel vm10, $0x1, v0  }
0x98: {  	(xrf0) =	vadd.scan.msk.s32 $0xffff, v7;
	_ =	sdelay $0x2  }
0x99: {  	v7 =	vmpcnt.ones.xlane vm7;
	_ =	sdelay $0x1  }
0x9a: {  	v5 =	vadd.s32 v5, v7;
	v7 =	vsel vm10, $0xFFFFFFFF, v0  }
0x9b: {  	v7 =	vadd.s32 v7, v5;
	v61, _, _ =	vpop (xrf0)  }
0x9c: {  	v7 =	vadd.s32 v61, v7  }
0x9d: {  	vm11 =	vlt.s32 v7, v3  }
0x9e: {  	vm12 =	vgt.s32 v6, v2;
	vm1 =	vmand vm10, vm11  }
0x9f: {  	vm1 =	vmor vm12, vm1  }
0xa0: {  	v6 =	vsel vm1, $0x1, v0  }
0xa1: {  	(xrf0) =	vadd.scan.msk.s32 $0xffff, v6;
	_ =	sdelay $0x2  }
0xa2: {  	v6 =	vmpcnt.ones.xlane vm2;
	_ =	sdelay $0x1  }
0xa3: {  	v4 =	vadd.s32 v4, v6;
	v6 =	vsel vm1, $0xFFFFFFFF, v0  }
0xa4: {  	v6 =	vadd.s32 v6, v4;
	v7, _, _ =	vpop (xrf0)  }
0xa5: {  	v6 =	vadd.s32 v7, v6;
	_ =	sdelay $0x2  }
0xa6: {  	s31 =	sadd.s32 $0x60, s26  }
0xa7: {  	v7 =	vor.u32 s31, v1  }
0xa8: {  	[tilespmem:v6+s13+$0x0] =	vst.idx.msk vm1, v7  }
0xa9: {  	v6 =	vld [tilespmem:s24+$0x30];
	_ =	sdelay $0x4  }
0xaa: {  	vm13 =	veq.s32 v6, v2  }
0xab: {  	v7 =	vsel vm13, $0x1, v0  }
0xac: {  	(xrf0) =	vadd.scan.msk.s32 $0xffff, v7;
	_ =	sdelay $0x2  }
0xad: {  	v7 =	vmpcnt.ones.xlane vm10;
	_ =	sdelay $0x1  }
0xae: {  	v5 =	vadd.s32 v5, v7;
	v7 =	vsel vm13, $0xFFFFFFFF, v0  }
0xaf: {  	v7 =	vadd.s32 v7, v5;
	v62, _, _ =	vpop (xrf0)  }
0xb0: {  	v7 =	vadd.s32 v62, v7  }
0xb1: {  	vm14 =	vlt.s32 v7, v3  }
0xb2: {  	vm15 =	vgt.s32 v6, v2;
	vm0 =	vmand vm13, vm14  }
0xb3: {  	vm0 =	vmor vm15, vm0  }
0xb4: {  	v6 =	vsel vm0, $0x1, v0  }
0xb5: {  	(xrf0) =	vadd.scan.msk.s32 $0xffff, v6;
	_ =	sdelay $0x2  }
0xb6: {  	v6 =	vmpcnt.ones.xlane vm1;
	_ =	sdelay $0x1  }
0xb7: {  	v4 =	vadd.s32 v4, v6;
	v6 =	vsel vm0, $0xFFFFFFFF, v0  }
0xb8: {  	v6 =	vadd.s32 v6, v4;
	v7, _, _ =	vpop (xrf0)  }
0xb9: {  	p0 =	sne.s32 s25, $0x1F80;
	v6 =	vadd.s32 v7, v6  }
.Ltmp0:
0xba: {  	_ = 	snop;
	(pc) =	sbr.rel @p0 .LBB2_2-.Ltmp0, $4  }
0xbb: {  	_ = 	snop  }
0xbc: {  	s26 =	sadd.s32 $0x70, s26;
	v63 =	vmpcnt.ones.xlane vm13;
	v7 =	vmpcnt.ones.xlane vm0  }
0xbd: {  	v9 =	vor.u32 s26, v1  }
0xbe: {  	s25 =	sadd.s32 $0x80, s25;
	s24 =	sadd.s32 $0x80, s24;
	v5 =	vadd.s32 v5, v63;
	v4 =	vadd.s32 v4, v7;
	[tilespmem:v6+s13+$0x0] =	vst.idx.msk vm0, v9  }
0xbf: {  	[tilespmem:s15], [sflag:$0x1] =	stream.indirect.gather [hbm4b:s1+s14], $0x80, s13, s14, $0xb8;
	[tilespmem:$0x12300] =	vst v63  }
0xc0: {  	_ = 	snop  }
0xc1: {  	[tilespmem:s17], [sflag:$0x1] =	stream.indirect.gather [hbm4b:s1+s14], $0x80, s16, s14, $0xb8;
	[tilespmem:$0x12300] =	vst v63  }
0xc2: {  	_ = 	snop  }
0xc3: {  	[tilespmem:s19], [sflag:$0x1] =	stream.indirect.gather [hbm4b:s1+s14], $0x80, s18, s14, $0xb8;
	[tilespmem:$0x12300] =	vst v63  }
0xc4: {  	_ = 	snop  }
0xc5: {  	[tilespmem:s21], [sflag:$0x1] =	stream.indirect.gather [hbm4b:s1+s14], $0x80, s20, s14, $0xb8;
	[tilespmem:$0x12300] =	vst v63  }
0xc6: {  	_ =	swait.ge [sflag:s22], $0x4000  }
0xc7: {  	[sflag:s22] =	ssyncset.done $0x0  }
0xc8: {  	[sflag:s22] =	ssyncadd.s32 $0xFFFFC000  }
0xc9: {  	_ =	swait.ge [sflag:s22], $0x4000  }
0xca: {  	[sflag:s22] =	ssyncset.done $0x0  }
0xcb: {  	[sflag:s22] =	ssyncadd.s32 $0xFFFFC000  }
0xcc: {  	_ =	swait.ge [sflag:s22], $0x4000  }
0xcd: {  	[sflag:s22] =	ssyncset.done $0x0  }
0xce: {  	[sflag:s22] =	ssyncadd.s32 $0xFFFFC000  }
0xcf: {  	s23 =	sadd.s32 $0x1, s23;
	_ =	swait.ge [sflag:s22], $0x4000  }
0xd0: {  	p0 =	sne.s32 s23, s8;
	[sflag:s22] =	ssyncset.done $0x0  }
.Ltmp1:
0xd1: {  	[sflag:s22] =	ssyncadd.s32 $0xFFFFC000;
	(pc) =	sbr.rel @p0 .LBB2_1-.Ltmp1, $4  }
0xd2: {  	[hbm4b:s7+s3] =	stream.linear.scatter [tilespmem:s15], [sflag:$0x2], $0x10000, $0x38;
	[tilespmem:$0x12300] =	vst v63  }
0xd3: {  	_ =	swait.ge [sflag:s10], $0x10000  }
0xd4: {  	[sflag:s10] =	ssyncset.done $0x0  }
0xd5: {  	[sflag:s10] =	ssyncadd.s32 $0xFFFF0000  }
0xd6: {  	_ =	sfence.sel $0x180000  }
0xd7: {  	[bflag:$0x0] =	sbarrier.arrive $0xFFFF  }
0xd8: {  	p0 =	sne.s32 s2, $0x0;
	_ =	strace $0x90000047  }
0xd9: {  	s0 =	sadd.s32 @!p0 $0x100000, s0;
	[bflag:$0x2] =	sbarrier.arrive $0xFFFF  }
0xda: {  	[sflag:s0] =	ssyncadd.tile.s32 @!p0 $0x1;
	_ =	shalt  }
.Lfunc_end2:
_tile_overlayer_lowered:
.L_overlay_start_2:
0xdb: {  	(tag) =	ssettag $0x2  }
0xdc: {  	s0 =	rddreg [dreg:$0x0];
	s2 =	stileid.u32  }
0xdd: {  	s1 =	rddreg [dreg:$0x1];
	p0 =	sne.s32 s2, $0x0  }
0xde: {  	s3 =	rddreg [dreg:$0x2];
	[bflag:$0x3] =	sbarrier.arrive $0xFFFF;
	s2 =	simm.s32 @!p0 $0x1C02  }
0xdf: {  	[timem:s3], [sflag:s2] =	dma.local @!p0 [hbm:s0], s1  }
0xe0: {  	s0 =	simm.s32 @!p0 $0x2  }
0xe1: {  	_ =	swait.ge @!p0 [sflag:s0], s1  }
0xe2: {  	s1 =	ssub.s32 @!p0 $0x0, s1;
	[sflag:s0] =	ssyncset.done @!p0 $0x0  }
0xe3: {  	[sflag:s0] =	ssyncadd.s32 @!p0 s1  }
0xe4: {  	[bflag:$0x3] =	sbarrier.arrive $0xFFFF  }
0xe5: {  	_ =	shalt  }

</sc_bundles>
